<compile_context>
chip_gen: v7x
topology: tpu7x:2x2x1
jax: 0.10.2.dev20260603
libtpu: 0.0.44.dev20260713+nightly
codegen_flags: <defaults>
</compile_context>

<pallas_src>
import functools

import jax
import jax.numpy as jnp
from jax import lax
from jax.experimental import pallas as pl
from jax.experimental.pallas import tpu as pltpu
from jax.experimental.pallas import tpu_sc as plsc

_BASE_BUDGET = 512.0
_ALPHA = 0.5
_TL = 512


def _dense_body(qe_ref, ce_ref, mask_ref, maskt_ref, wq_ref, bq_ref, wc_ref,
                bc_ref, w1_ref, b1_ref, w2_ref, b2_ref,
                rel_ref, keys_ref, bud_ref):

    ce = ce_ref[0]
    raw = lax.dot_general(ce, wc_ref[...], (((1,), (1,)), ((), ())),
                          preferred_element_type=jnp.float32)
    raw = raw + bc_ref[...]

    qe = qe_ref[0]
    qr = lax.dot_general(qe, wq_ref[...], (((1,), (1,)), ((), ())),
                         preferred_element_type=jnp.float32) + bq_ref[...]
    qn = jnp.sqrt(jnp.sum(qr * qr, axis=1, keepdims=True))
    qr = qr / jnp.maximum(qn, 1e-12)
    qp = jnp.mean(qr, axis=0, keepdims=True)
    qpn = jnp.sqrt(jnp.sum(qp * qp, axis=1, keepdims=True))
    qp = qp / jnp.maximum(qpn, 1e-12)

    n = jnp.sqrt(jnp.sum(raw * raw, axis=1, keepdims=True))
    chat = raw / jnp.maximum(n, 1e-12)
    rel = lax.dot_general(qp, chat, (((1,), (1,)), ((), ())),
                          preferred_element_type=jnp.float32)

    mrow = mask_ref[0]
    mt = maskt_ref[0]
    rel = jnp.where(mt > 0.0, rel, -jnp.inf)
    rel_ref[0] = rel

    u = lax.bitcast_convert_type(rel, jnp.uint32)
    key = u ^ jnp.where(u >> 31 == 1, jnp.uint32(0xFFFFFFFF), jnp.uint32(0x80000000))
    keys_ref[0] = key

    pooled = jnp.mean(qe, axis=0, keepdims=True)
    hidden = lax.dot_general(pooled, w1_ref[...], (((1,), (1,)), ((), ())),
                             preferred_element_type=jnp.float32) + b1_ref[...]
    hidden = jnp.maximum(hidden, 0.0)
    logit = jnp.sum(hidden * w2_ref[...]) + b2_ref[0, 0]
    cx = 1.0 / (1.0 + jnp.exp(-logit))
    budf = jnp.round(_BASE_BUDGET * (1.0 + _ALPHA * cx))
    msum = jnp.sum(mrow)
    budm = jnp.minimum(budf, msum)
    bud_ref[0] = jnp.full((1, 128), budm, jnp.float32).astype(jnp.int32)


def _dense(qe, ce, mask, Wq, bq, Wc, bc, W1, b1, W2, b2):
    Bn, Qn, Dn = qe.shape
    Ln = ce.shape[1]
    Rn = Wq.shape[0]
    Hn = W1.shape[0]
    grid = (Bn, Ln // _TL)
    mask3 = mask.reshape(Bn, 1, Ln)
    out_shape = (
        jax.ShapeDtypeStruct((Bn, 1, Ln), jnp.float32),
        jax.ShapeDtypeStruct((Bn, 1, Ln), jnp.uint32),
        jax.ShapeDtypeStruct((Bn, 1, 128), jnp.int32),
    )
    rel, keys, bud = pl.pallas_call(
        _dense_body,
        grid=grid,
        in_specs=[
            pl.BlockSpec((1, Qn, Dn), lambda b, j: (b, 0, 0)),
            pl.BlockSpec((1, _TL, Dn), lambda b, j: (b, j, 0)),
            pl.BlockSpec((1, 1, Ln), lambda b, j: (b, 0, 0)),
            pl.BlockSpec((1, 1, _TL), lambda b, j: (b, 0, j)),
            pl.BlockSpec((Rn, Dn), lambda b, j: (0, 0)),
            pl.BlockSpec((1, Rn), lambda b, j: (0, 0)),
            pl.BlockSpec((Rn, Dn), lambda b, j: (0, 0)),
            pl.BlockSpec((1, Rn), lambda b, j: (0, 0)),
            pl.BlockSpec((Hn, Dn), lambda b, j: (0, 0)),
            pl.BlockSpec((1, Hn), lambda b, j: (0, 0)),
            pl.BlockSpec((1, Hn), lambda b, j: (0, 0)),
            pl.BlockSpec(memory_space=pltpu.SMEM),
        ],
        out_specs=(
            pl.BlockSpec((1, 1, _TL), lambda b, j: (b, 0, j)),
            pl.BlockSpec((1, 1, _TL), lambda b, j: (b, 0, j)),
            pl.BlockSpec((1, 1, 128), lambda b, j: (b, 0, 0)),
        ),
        out_shape=out_shape,
        compiler_params=pltpu.CompilerParams(
            dimension_semantics=("parallel", "arbitrary"),
        ),
    )(qe, ce, mask3, mask3, Wq, bq.reshape(1, Rn), Wc, bc.reshape(1, Rn),
      W1, b1.reshape(1, Hn), W2, b2.reshape(1, 1))
    return rel.reshape(Bn, Ln), keys.reshape(Bn, Ln), bud.reshape(Bn, 128)


def _select_body(keys_hbm, bud_hbm, out_hbm, keys_v, out_v, bud_v, L):
    nc = lax.axis_index("c")
    ns = lax.axis_index("s")
    wid = ns * 2 + nc
    pltpu.sync_copy(keys_hbm.at[wid], keys_v)
    pltpu.sync_copy(bud_hbm.at[wid], bud_v)
    k = lax.reduce_sum(bud_v[pl.ds(0, 16)], axes=(0,)) >> 4

    nchunk = L // 16
    group = 8

    def count_ge(thr):
        tv = jnp.full((16,), thr, jnp.uint32)

        def body(g, acc):
            for u in range(group):
                kv = keys_v[pl.ds((g * group + u) * 16, 16)]
                acc = acc + jnp.where(kv >= tv, 1, 0).astype(jnp.int32)
            return acc

        acc = lax.fori_loop(0, nchunk // group, body, jnp.zeros((16,), jnp.int32))
        return lax.reduce_sum(acc, axes=(0,))

    def bit_body(i, t):
        cand = t | (jnp.uint32(1) << (jnp.uint32(31) - i.astype(jnp.uint32)))
        c = count_ge(cand)
        return jnp.where(c >= k, cand, t)

    t = lax.fori_loop(0, 32, bit_body, jnp.uint32(0))
    tv = jnp.full((16,), t, jnp.uint32)

    def gt_body(g, acc):
        for u in range(group):
            kv = keys_v[pl.ds((g * group + u) * 16, 16)]
            acc = acc + jnp.where(kv > tv, 1, 0).astype(jnp.int32)
        return acc

    cnt_gt = lax.reduce_sum(
        lax.fori_loop(0, nchunk // group, gt_body, jnp.zeros((16,), jnp.int32)),
        axes=(0,))
    rem = k - cnt_gt

    def out_body(g, carry):
        for u in range(group):
            j = g * group + u
            kv = keys_v[pl.ds(j * 16, 16)]
            gt = kv > tv
            eq = kv == tv
            eqi = jnp.where(eq, 1, 0).astype(jnp.int32)
            pc = plsc.cumsum(eqi)
            sel = gt | (eq & ((carry + pc) <= rem))
            out_v[pl.ds(j * 16, 16)] = jnp.where(sel, 1.0, 0.0).astype(jnp.float32)
            carry = carry + lax.reduce_sum(eqi, axes=(0,))
        return carry

    lax.fori_loop(0, nchunk // group, out_body, jnp.int32(0))
    pltpu.sync_copy(out_v, out_hbm.at[wid])


def _select(keys, bud):
    Bn, Ln = keys.shape
    mesh = plsc.VectorSubcoreMesh(core_axis_name="c", subcore_axis_name="s")
    body = functools.partial(_select_body, L=Ln)
    return pl.kernel(
        body,
        mesh=mesh,
        out_type=jax.ShapeDtypeStruct((Bn, Ln), jnp.float32),
        scratch_types=[
            pltpu.VMEM((Ln,), jnp.uint32),
            pltpu.VMEM((Ln,), jnp.float32),
            pltpu.VMEM((128,), jnp.int32),
        ],
        compiler_params=pltpu.CompilerParams(needs_layout_passes=False),
    )(keys, bud)


def kernel(query_embeddings, context_embeddings, context_mask,
           Wq, bq, Wc, bc, W1, b1, W2, b2):
    rel, keys, bud = _dense(query_embeddings, context_embeddings, context_mask,
                            Wq, bq, Wc, bc, W1, b1, W2, b2)
    selection_mask = _select(keys, bud)
    return (selection_mask, rel)

# --- scband reference (transcript-rebuilt; emitter-appended) ---
"""Pipeline reference for scband-dynamic-sparse-retriever-10033043603693 (READ-ONLY COPY).

The authoritative reference and input builder live on the scoring server;
editing this copy changes nothing except your own understanding.
"""

import jax, jax.numpy as jnp
import numpy as np

BASE_BUDGET = 512
ALPHA = 0.5
TEMPERATURE = 1.0


def _l2norm(x, axis=-1, eps=1e-12):
    n = jnp.sqrt(jnp.sum(x * x, axis=axis, keepdims=True))
    return x / jnp.maximum(n, eps)


def setup_inputs(seed: int = 0) -> dict:
    key = jax.random.key(seed)
    ks = jax.random.split(key, 12)
    B, Q, L, D, R, H = 32, 16, 4096, 1024, 128, 128
    sD = 1.0 / np.sqrt(D)
    sH = 1.0 / np.sqrt(H)
    return {
        "query_embeddings": jax.random.normal(ks[0], (B, Q, D), dtype=jnp.float32),
        "context_embeddings": jax.random.normal(ks[1], (B, L, D), dtype=jnp.float32),
        "context_mask": jnp.ones((B, L), dtype=jnp.float32),
        "Wq": jax.random.normal(ks[2], (R, D), dtype=jnp.float32) * sD,
        "bq": jax.random.normal(ks[3], (R,), dtype=jnp.float32) * sD,
        "Wc": jax.random.normal(ks[4], (R, D), dtype=jnp.float32) * sD,
        "bc": jax.random.normal(ks[5], (R,), dtype=jnp.float32) * sD,
        "W1": jax.random.normal(ks[6], (H, D), dtype=jnp.float32) * sD,
        "b1": jax.random.normal(ks[7], (H,), dtype=jnp.float32) * sD,
        "W2": jax.random.normal(ks[8], (1, H), dtype=jnp.float32) * sH,
        "b2": jax.random.normal(ks[9], (1,), dtype=jnp.float32) * sH,
    }


def reference(query_embeddings, context_embeddings, context_mask, Wq, bq, Wc, bc, W1, b1, W2, b2):
    # encoders + L2 normalize
    query_reduced = _l2norm(query_embeddings @ Wq.T + bq)
    context_reduced = _l2norm(context_embeddings @ Wc.T + bc)
    query_pooled = _l2norm(jnp.mean(query_reduced, axis=1))
    # relevance scores: bmm(query_pooled[:,None,:], context_reduced^T)
    relevance_scores = jnp.einsum('bd,bld->bl', query_pooled, context_reduced)
    relevance_scores = jnp.where(context_mask > 0, relevance_scores, -jnp.inf)
    # query complexity analyzer
    pooled = jnp.mean(query_embeddings, axis=1)
    hidden = jax.nn.relu(pooled @ W1.T + b1)
    complexity = jax.nn.sigmoid(hidden @ W2.T + b2)[:, 0]
    token_budget = jnp.round(BASE_BUDGET * (1.0 + ALPHA * complexity)).astype(jnp.int32)
    token_budget = jnp.minimum(token_budget, jnp.sum(context_mask, axis=1).astype(jnp.int32))
    # eval-path (deterministic) per-sample top-k with variable budget
    B, L = relevance_scores.shape
    _, idx_full = jax.lax.top_k(relevance_scores, L)
    rank_selected = jnp.arange(L, dtype=jnp.int32)[None, :] < token_budget[:, None]
    rows = jnp.arange(B)[:, None]
    selection_mask = jnp.zeros_like(context_mask).at[rows, idx_full].set(
        rank_selected.astype(context_mask.dtype)
    )
    return (selection_mask, relevance_scores)

if __name__ == "__main__":
    import jax
    _d = setup_inputs()
    print(jax.jit(kernel)(*tuple(_d.values())))

</pallas_src>

<mosaic_0001>
#map = affine_map<(d0, d1) -> (0, 0)>
module attributes {stable_mosaic.version = 14 : i64} {
  func.func @_select_body(%arg0: i32, %arg1: i32, %arg2: memref<32x4096xi32, #tpu.memory_space<hbm>>, %arg3: memref<32x128xi32, #tpu.memory_space<hbm>>, %arg4: memref<32x4096xf32, #tpu.memory_space<hbm>>, %arg5: memref<4096xi32, #tpu.memory_space<vmem>>, %arg6: memref<4096xf32, #tpu.memory_space<vmem>>, %arg7: memref<128xi32, #tpu.memory_space<vmem>>) attributes {dimension_semantics = [#tpu.dimension_semantics<core_parallel>, #tpu.dimension_semantics<subcore_parallel>], iteration_bounds = array<i64: 2, 16>, scalar_prefetch = 0 : i64, scratch_operands = 3 : i64, tpu.core_type = #tpu.core_type<sc_vector_subcore>, window_params = [{transform_indices = #map}, {transform_indices = #map}, {transform_indices = #map}]} {
    %mul3A = arith.constant 2 : i32
    %mul3A_0 = arith.muli %arg1, %mul3A : i32
    %add3A = arith.addi %mul3A_0, %arg0 : i32
    "tpu.region"() ({
      %run_scoped3A = tpu.sem_alloc : memref<!tpu.dma_semaphore, #tpu.memory_space<semaphore_mem>>
      %dma_start3A = arith.constant 0 : i32
      %dma_start3A_31 = tpu.memref_slice %arg2[%add3A, %dma_start3A] : memref<32x4096xi32, #tpu.memory_space<hbm>> -> memref<1x4096xi32, #tpu.memory_space<hbm>>
      %dma_start3A_32 = tpu.memref_squeeze %dma_start3A_31 : memref<1x4096xi32, #tpu.memory_space<hbm>> -> memref<4096xi32, #tpu.memory_space<hbm>>
      %dma_start3A_33 = arith.constant 0 : i32
      %dma_start3A_34 = tpu.memref_slice %arg2[%add3A, %dma_start3A_33] : memref<32x4096xi32, #tpu.memory_space<hbm>> -> memref<1x4096xi32, #tpu.memory_space<hbm>>
      %dma_start3A_35 = tpu.memref_squeeze %dma_start3A_34 : memref<1x4096xi32, #tpu.memory_space<hbm>> -> memref<4096xi32, #tpu.memory_space<hbm>>
      tpu.enqueue_dma source(%dma_start3A_35 : memref<4096xi32, #tpu.memory_space<hbm>>) target(%arg5 : memref<4096xi32, #tpu.memory_space<vmem>>) target_semaphore(%run_scoped3A : memref<!tpu.dma_semaphore, #tpu.memory_space<semaphore_mem>>)
      %dma_wait3A = arith.constant 0 : i32
      %dma_wait3A_36 = tpu.memref_slice %arg2[%add3A, %dma_wait3A] : memref<32x4096xi32, #tpu.memory_space<hbm>> -> memref<1x4096xi32, #tpu.memory_space<hbm>>
      %dma_wait3A_37 = tpu.memref_squeeze %dma_wait3A_36 : memref<1x4096xi32, #tpu.memory_space<hbm>> -> memref<4096xi32, #tpu.memory_space<hbm>>
      %dma_wait3A_38 = arith.constant 0 : i32
      %dma_wait3A_39 = tpu.memref_slice %arg2[%add3A, %dma_wait3A_38] : memref<32x4096xi32, #tpu.memory_space<hbm>> -> memref<1x4096xi32, #tpu.memory_space<hbm>>
      %dma_wait3A_40 = tpu.memref_squeeze %dma_wait3A_39 : memref<1x4096xi32, #tpu.memory_space<hbm>> -> memref<4096xi32, #tpu.memory_space<hbm>>
      tpu.wait_dma2 semaphore(%run_scoped3A : memref<!tpu.dma_semaphore, #tpu.memory_space<semaphore_mem>>) src(%dma_wait3A_40 : memref<4096xi32, #tpu.memory_space<hbm>>) dst(%arg5 : memref<4096xi32, #tpu.memory_space<vmem>>)
      tpu.yield
    }) : () -> ()
    "tpu.region"() ({
      %run_scoped3A = tpu.sem_alloc : memref<!tpu.dma_semaphore, #tpu.memory_space<semaphore_mem>>
      %dma_start3A = arith.constant 0 : i32
      %dma_start3A_31 = tpu.memref_slice %arg3[%add3A, %dma_start3A] : memref<32x128xi32, #tpu.memory_space<hbm>> -> memref<1x128xi32, #tpu.memory_space<hbm>>
      %dma_start3A_32 = tpu.memref_squeeze %dma_start3A_31 : memref<1x128xi32, #tpu.memory_space<hbm>> -> memref<128xi32, #tpu.memory_space<hbm>>
      %dma_start3A_33 = arith.constant 0 : i32
      %dma_start3A_34 = tpu.memref_slice %arg3[%add3A, %dma_start3A_33] : memref<32x128xi32, #tpu.memory_space<hbm>> -> memref<1x128xi32, #tpu.memory_space<hbm>>
      %dma_start3A_35 = tpu.memref_squeeze %dma_start3A_34 : memref<1x128xi32, #tpu.memory_space<hbm>> -> memref<128xi32, #tpu.memory_space<hbm>>
      tpu.enqueue_dma source(%dma_start3A_35 : memref<128xi32, #tpu.memory_space<hbm>>) target(%arg7 : memref<128xi32, #tpu.memory_space<vmem>>) target_semaphore(%run_scoped3A : memref<!tpu.dma_semaphore, #tpu.memory_space<semaphore_mem>>)
      %dma_wait3A = arith.constant 0 : i32
      %dma_wait3A_36 = tpu.memref_slice %arg3[%add3A, %dma_wait3A] : memref<32x128xi32, #tpu.memory_space<hbm>> -> memref<1x128xi32, #tpu.memory_space<hbm>>
      %dma_wait3A_37 = tpu.memref_squeeze %dma_wait3A_36 : memref<1x128xi32, #tpu.memory_space<hbm>> -> memref<128xi32, #tpu.memory_space<hbm>>
      %dma_wait3A_38 = arith.constant 0 : i32
      %dma_wait3A_39 = tpu.memref_slice %arg3[%add3A, %dma_wait3A_38] : memref<32x128xi32, #tpu.memory_space<hbm>> -> memref<1x128xi32, #tpu.memory_space<hbm>>
      %dma_wait3A_40 = tpu.memref_squeeze %dma_wait3A_39 : memref<1x128xi32, #tpu.memory_space<hbm>> -> memref<128xi32, #tpu.memory_space<hbm>>
      tpu.wait_dma2 semaphore(%run_scoped3A : memref<!tpu.dma_semaphore, #tpu.memory_space<semaphore_mem>>) src(%dma_wait3A_40 : memref<128xi32, #tpu.memory_space<hbm>>) dst(%arg7 : memref<128xi32, #tpu.memory_space<vmem>>)
      tpu.yield
    }) : () -> ()
    %get3A = arith.constant 0 : index
    %get3A_1 = tpu.vector_load %arg7[%get3A] {strides = array<i32>} : memref<128xi32, #tpu.memory_space<vmem>>, vector<16xi32>,
    %reduce_sum3A = arith.constant true
    %reduce_sum3A_2 = vector.broadcast %reduce_sum3A : i1 to vector<16xi1>
    %reduce_sum3A_3 = tpu.scan <sum>, %get3A_1 masked %reduce_sum3A_2 : vector<16xi32>, vector<16xi1> -> vector<16xi32>
    %reduce_sum3A_4 = vector.extract %reduce_sum3A_3[15] : i32 from vector<16xi32>
    %shift_right_arithmetic3A = arith.constant 4 : i32
    %shift_right_arithmetic3A_5 = arith.shrsi %reduce_sum3A_4, %shift_right_arithmetic3A : i32
    %scan3A = arith.constant 0 : i32
    %scan3A_6 = arith.constant 0 : i32
    %scan3A_7 = arith.constant 32 : i32
    %scan3A_8 = arith.addi %scan3A_6, %scan3A_7 : i32
    %scan3A_9 = arith.constant 1 : i32
    %scan3A_10 = scf.for %scan3A_31 = %scan3A_6 to %scan3A_8 step %scan3A_9 iter_args(%scan3A_32 = %scan3A) -> (i32)  : i32 {
      %sub3A_33 = arith.constant 31 : i32
      %sub3A_34 = arith.subi %sub3A_33, %scan3A_31 : i32
      %shift_left3A = arith.constant 1 : i32
      %shift_left3A_35 = arith.shli %shift_left3A, %sub3A_34 : i32
      %or3A = arith.ori %scan3A_32, %shift_left3A_35 : i32
      %broadcast_in_dim3A_36 = vector.broadcast %or3A : i32 to vector<16xi32>
      %broadcast_in_dim3A_37 = arith.constant 0 : i32
      %broadcast_in_dim3A_38 = vector.broadcast %broadcast_in_dim3A_37 : i32 to vector<16xi32>
      %scan3A_39 = arith.constant 0 : i32
      %scan3A_40 = arith.constant 32 : i32
      %scan3A_41 = arith.addi %scan3A_39, %scan3A_40 : i32
      %scan3A_42 = arith.constant 1 : i32
      %scan3A_43 = scf.for %scan3A_49 = %scan3A_39 to %scan3A_41 step %scan3A_42 iter_args(%scan3A_50 = %broadcast_in_dim3A_38) -> (vector<16xi32>)  : i32 {
        %mul3A_51 = arith.constant 8 : i32
        %mul3A_52 = arith.muli %scan3A_49, %mul3A_51 : i32
        %add3A_53 = arith.constant 0 : i32
        %add3A_54 = arith.addi %mul3A_52, %add3A_53 : i32
        %mul3A_55 = arith.constant 16 : i32
        %mul3A_56 = arith.muli %add3A_54, %mul3A_55 : i32
        %get3A_57 = arith.index_cast %mul3A_56 : i32 to index
        %get3A_58 = tpu.vector_load %arg5[%get3A_57] {strides = array<i32>} : memref<4096xi32, #tpu.memory_space<vmem>>, vector<16xi32>,
        %ge3A_59 = arith.cmpi uge, %get3A_58, %broadcast_in_dim3A_36 : vector<16xi32>
        %jit3A = arith.constant 1 : i32
        %jit3A_60 = arith.constant 0 : i32
        %broadcast_in_dim3A_61 = vector.broadcast %jit3A : i32 to vector<16xi32>
        %broadcast_in_dim3A_62 = vector.broadcast %jit3A_60 : i32 to vector<16xi32>
        %select_n3A_63 = arith.select %ge3A_59, %broadcast_in_dim3A_61, %broadcast_in_dim3A_62 : vector<16xi1>, vector<16xi32>
        %add3A_64 = arith.addi %scan3A_50, %select_n3A_63 : vector<16xi32>
        %mul3A_65 = arith.constant 8 : i32
        %mul3A_66 = arith.muli %scan3A_49, %mul3A_65 : i32
        %add3A_67 = arith.constant 1 : i32
        %add3A_68 = arith.addi %mul3A_66, %add3A_67 : i32
        %mul3A_69 = arith.constant 16 : i32
        %mul3A_70 = arith.muli %add3A_68, %mul3A_69 : i32
        %get3A_71 = arith.index_cast %mul3A_70 : i32 to index
        %get3A_72 = tpu.vector_load %arg5[%get3A_71] {strides = array<i32>} : memref<4096xi32, #tpu.memory_space<vmem>>, vector<16xi32>,
        %ge3A_73 = arith.cmpi uge, %get3A_72, %broadcast_in_dim3A_36 : vector<16xi32>
        %jit3A_74 = arith.constant 1 : i32
        %jit3A_75 = arith.constant 0 : i32
        %broadcast_in_dim3A_76 = vector.broadcast %jit3A_74 : i32 to vector<16xi32>
        %broadcast_in_dim3A_77 = vector.broadcast %jit3A_75 : i32 to vector<16xi32>
        %select_n3A_78 = arith.select %ge3A_73, %broadcast_in_dim3A_76, %broadcast_in_dim3A_77 : vector<16xi1>, vector<16xi32>
        %add3A_79 = arith.addi %add3A_64, %select_n3A_78 : vector<16xi32>
        %mul3A_80 = arith.constant 8 : i32
        %mul3A_81 = arith.muli %scan3A_49, %mul3A_80 : i32
        %add3A_82 = arith.constant 2 : i32
        %add3A_83 = arith.addi %mul3A_81, %add3A_82 : i32
        %mul3A_84 = arith.constant 16 : i32
        %mul3A_85 = arith.muli %add3A_83, %mul3A_84 : i32
        %get3A_86 = arith.index_cast %mul3A_85 : i32 to index
        %get3A_87 = tpu.vector_load %arg5[%get3A_86] {strides = array<i32>} : memref<4096xi32, #tpu.memory_space<vmem>>, vector<16xi32>,
        %ge3A_88 = arith.cmpi uge, %get3A_87, %broadcast_in_dim3A_36 : vector<16xi32>
        %jit3A_89 = arith.constant 1 : i32
        %jit3A_90 = arith.constant 0 : i32
        %broadcast_in_dim3A_91 = vector.broadcast %jit3A_89 : i32 to vector<16xi32>
        %broadcast_in_dim3A_92 = vector.broadcast %jit3A_90 : i32 to vector<16xi32>
        %select_n3A_93 = arith.select %ge3A_88, %broadcast_in_dim3A_91, %broadcast_in_dim3A_92 : vector<16xi1>, vector<16xi32>
        %add3A_94 = arith.addi %add3A_79, %select_n3A_93 : vector<16xi32>
        %mul3A_95 = arith.constant 8 : i32
        %mul3A_96 = arith.muli %scan3A_49, %mul3A_95 : i32
        %add3A_97 = arith.constant 3 : i32
        %add3A_98 = arith.addi %mul3A_96, %add3A_97 : i32
        %mul3A_99 = arith.constant 16 : i32
        %mul3A_100 = arith.muli %add3A_98, %mul3A_99 : i32
        %get3A_101 = arith.index_cast %mul3A_100 : i32 to index
        %get3A_102 = tpu.vector_load %arg5[%get3A_101] {strides = array<i32>} : memref<4096xi32, #tpu.memory_space<vmem>>, vector<16xi32>,
        %ge3A_103 = arith.cmpi uge, %get3A_102, %broadcast_in_dim3A_36 : vector<16xi32>
        %jit3A_104 = arith.constant 1 : i32
        %jit3A_105 = arith.constant 0 : i32
        %broadcast_in_dim3A_106 = vector.broadcast %jit3A_104 : i32 to vector<16xi32>
        %broadcast_in_dim3A_107 = vector.broadcast %jit3A_105 : i32 to vector<16xi32>
        %select_n3A_108 = arith.select %ge3A_103, %broadcast_in_dim3A_106, %broadcast_in_dim3A_107 : vector<16xi1>, vector<16xi32>
        %add3A_109 = arith.addi %add3A_94, %select_n3A_108 : vector<16xi32>
        %mul3A_110 = arith.constant 8 : i32
        %mul3A_111 = arith.muli %scan3A_49, %mul3A_110 : i32
        %add3A_112 = arith.constant 4 : i32
        %add3A_113 = arith.addi %mul3A_111, %add3A_112 : i32
        %mul3A_114 = arith.constant 16 : i32
        %mul3A_115 = arith.muli %add3A_113, %mul3A_114 : i32
        %get3A_116 = arith.index_cast %mul3A_115 : i32 to index
        %get3A_117 = tpu.vector_load %arg5[%get3A_116] {strides = array<i32>} : memref<4096xi32, #tpu.memory_space<vmem>>, vector<16xi32>,
        %ge3A_118 = arith.cmpi uge, %get3A_117, %broadcast_in_dim3A_36 : vector<16xi32>
        %jit3A_119 = arith.constant 1 : i32
        %jit3A_120 = arith.constant 0 : i32
        %broadcast_in_dim3A_121 = vector.broadcast %jit3A_119 : i32 to vector<16xi32>
        %broadcast_in_dim3A_122 = vector.broadcast %jit3A_120 : i32 to vector<16xi32>
        %select_n3A_123 = arith.select %ge3A_118, %broadcast_in_dim3A_121, %broadcast_in_dim3A_122 : vector<16xi1>, vector<16xi32>
        %add3A_124 = arith.addi %add3A_109, %select_n3A_123 : vector<16xi32>
        %mul3A_125 = arith.constant 8 : i32
        %mul3A_126 = arith.muli %scan3A_49, %mul3A_125 : i32
        %add3A_127 = arith.constant 5 : i32
        %add3A_128 = arith.addi %mul3A_126, %add3A_127 : i32
        %mul3A_129 = arith.constant 16 : i32
        %mul3A_130 = arith.muli %add3A_128, %mul3A_129 : i32
        %get3A_131 = arith.index_cast %mul3A_130 : i32 to index
        %get3A_132 = tpu.vector_load %arg5[%get3A_131] {strides = array<i32>} : memref<4096xi32, #tpu.memory_space<vmem>>, vector<16xi32>,
        %ge3A_133 = arith.cmpi uge, %get3A_132, %broadcast_in_dim3A_36 : vector<16xi32>
        %jit3A_134 = arith.constant 1 : i32
        %jit3A_135 = arith.constant 0 : i32
        %broadcast_in_dim3A_136 = vector.broadcast %jit3A_134 : i32 to vector<16xi32>
        %broadcast_in_dim3A_137 = vector.broadcast %jit3A_135 : i32 to vector<16xi32>
        %select_n3A_138 = arith.select %ge3A_133, %broadcast_in_dim3A_136, %broadcast_in_dim3A_137 : vector<16xi1>, vector<16xi32>
        %add3A_139 = arith.addi %add3A_124, %select_n3A_138 : vector<16xi32>
        %mul3A_140 = arith.constant 8 : i32
        %mul3A_141 = arith.muli %scan3A_49, %mul3A_140 : i32
        %add3A_142 = arith.constant 6 : i32
        %add3A_143 = arith.addi %mul3A_141, %add3A_142 : i32
        %mul3A_144 = arith.constant 16 : i32
        %mul3A_145 = arith.muli %add3A_143, %mul3A_144 : i32
        %get3A_146 = arith.index_cast %mul3A_145 : i32 to index
        %get3A_147 = tpu.vector_load %arg5[%get3A_146] {strides = array<i32>} : memref<4096xi32, #tpu.memory_space<vmem>>, vector<16xi32>,
        %ge3A_148 = arith.cmpi uge, %get3A_147, %broadcast_in_dim3A_36 : vector<16xi32>
        %jit3A_149 = arith.constant 1 : i32
        %jit3A_150 = arith.constant 0 : i32
        %broadcast_in_dim3A_151 = vector.broadcast %jit3A_149 : i32 to vector<16xi32>
        %broadcast_in_dim3A_152 = vector.broadcast %jit3A_150 : i32 to vector<16xi32>
        %select_n3A_153 = arith.select %ge3A_148, %broadcast_in_dim3A_151, %broadcast_in_dim3A_152 : vector<16xi1>, vector<16xi32>
        %add3A_154 = arith.addi %add3A_139, %select_n3A_153 : vector<16xi32>
        %mul3A_155 = arith.constant 8 : i32
        %mul3A_156 = arith.muli %scan3A_49, %mul3A_155 : i32
        %add3A_157 = arith.constant 7 : i32
        %add3A_158 = arith.addi %mul3A_156, %add3A_157 : i32
        %mul3A_159 = arith.constant 16 : i32
        %mul3A_160 = arith.muli %add3A_158, %mul3A_159 : i32
        %get3A_161 = arith.index_cast %mul3A_160 : i32 to index
        %get3A_162 = tpu.vector_load %arg5[%get3A_161] {strides = array<i32>} : memref<4096xi32, #tpu.memory_space<vmem>>, vector<16xi32>,
        %ge3A_163 = arith.cmpi uge, %get3A_162, %broadcast_in_dim3A_36 : vector<16xi32>
        %jit3A_164 = arith.constant 1 : i32
        %jit3A_165 = arith.constant 0 : i32
        %broadcast_in_dim3A_166 = vector.broadcast %jit3A_164 : i32 to vector<16xi32>
        %broadcast_in_dim3A_167 = vector.broadcast %jit3A_165 : i32 to vector<16xi32>
        %select_n3A_168 = arith.select %ge3A_163, %broadcast_in_dim3A_166, %broadcast_in_dim3A_167 : vector<16xi1>, vector<16xi32>
        %add3A_169 = arith.addi %add3A_154, %select_n3A_168 : vector<16xi32>
        scf.yield %add3A_169 : vector<16xi32>
      }
      %scan3A_44 = arith.constant 32 : i32
      %reduce_sum3A_45 = arith.constant true
      %reduce_sum3A_46 = vector.broadcast %reduce_sum3A_45 : i1 to vector<16xi1>
      %reduce_sum3A_47 = tpu.scan <sum>, %scan3A_43 masked %reduce_sum3A_46 : vector<16xi32>, vector<16xi1> -> vector<16xi32>
      %reduce_sum3A_48 = vector.extract %reduce_sum3A_47[15] : i32 from vector<16xi32>
      %ge3A = arith.cmpi sge, %reduce_sum3A_48, %shift_right_arithmetic3A_5 : i32
      %select_n3A = arith.select %ge3A, %or3A, %scan3A_32 : i32
      scf.yield %select_n3A : i32
    }
    %scan3A_11 = arith.constant 32 : i32
    %broadcast_in_dim3A = vector.broadcast %scan3A_10 : i32 to vector<16xi32>
    %broadcast_in_dim3A_12 = arith.constant 0 : i32
    %broadcast_in_dim3A_13 = vector.broadcast %broadcast_in_dim3A_12 : i32 to vector<16xi32>
    %scan3A_14 = arith.constant 0 : i32
    %scan3A_15 = arith.constant 32 : i32
    %scan3A_16 = arith.addi %scan3A_14, %scan3A_15 : i32
    %scan3A_17 = arith.constant 1 : i32
    %scan3A_18 = scf.for %scan3A_31 = %scan3A_14 to %scan3A_16 step %scan3A_17 iter_args(%scan3A_32 = %broadcast_in_dim3A_13) -> (vector<16xi32>)  : i32 {
      %mul3A_33 = arith.constant 8 : i32
      %mul3A_34 = arith.muli %scan3A_31, %mul3A_33 : i32
      %add3A_35 = arith.constant 0 : i32
      %add3A_36 = arith.addi %mul3A_34, %add3A_35 : i32
      %mul3A_37 = arith.constant 16 : i32
      %mul3A_38 = arith.muli %add3A_36, %mul3A_37 : i32
      %get3A_39 = arith.index_cast %mul3A_38 : i32 to index
      %get3A_40 = tpu.vector_load %arg5[%get3A_39] {strides = array<i32>} : memref<4096xi32, #tpu.memory_space<vmem>>, vector<16xi32>,
      %gt3A = arith.cmpi ugt, %get3A_40, %broadcast_in_dim3A : vector<16xi32>
      %jit3A = arith.constant 1 : i32
      %jit3A_41 = arith.constant 0 : i32
      %broadcast_in_dim3A_42 = vector.broadcast %jit3A : i32 to vector<16xi32>
      %broadcast_in_dim3A_43 = vector.broadcast %jit3A_41 : i32 to vector<16xi32>
      %select_n3A = arith.select %gt3A, %broadcast_in_dim3A_42, %broadcast_in_dim3A_43 : vector<16xi1>, vector<16xi32>
      %add3A_44 = arith.addi %scan3A_32, %select_n3A : vector<16xi32>
      %mul3A_45 = arith.constant 8 : i32
      %mul3A_46 = arith.muli %scan3A_31, %mul3A_45 : i32
      %add3A_47 = arith.constant 1 : i32
      %add3A_48 = arith.addi %mul3A_46, %add3A_47 : i32
      %mul3A_49 = arith.constant 16 : i32
      %mul3A_50 = arith.muli %add3A_48, %mul3A_49 : i32
      %get3A_51 = arith.index_cast %mul3A_50 : i32 to index
      %get3A_52 = tpu.vector_load %arg5[%get3A_51] {strides = array<i32>} : memref<4096xi32, #tpu.memory_space<vmem>>, vector<16xi32>,
      %gt3A_53 = arith.cmpi ugt, %get3A_52, %broadcast_in_dim3A : vector<16xi32>
      %jit3A_54 = arith.constant 1 : i32
      %jit3A_55 = arith.constant 0 : i32
      %broadcast_in_dim3A_56 = vector.broadcast %jit3A_54 : i32 to vector<16xi32>
      %broadcast_in_dim3A_57 = vector.broadcast %jit3A_55 : i32 to vector<16xi32>
      %select_n3A_58 = arith.select %gt3A_53, %broadcast_in_dim3A_56, %broadcast_in_dim3A_57 : vector<16xi1>, vector<16xi32>
      %add3A_59 = arith.addi %add3A_44, %select_n3A_58 : vector<16xi32>
      %mul3A_60 = arith.constant 8 : i32
      %mul3A_61 = arith.muli %scan3A_31, %mul3A_60 : i32
      %add3A_62 = arith.constant 2 : i32
      %add3A_63 = arith.addi %mul3A_61, %add3A_62 : i32
      %mul3A_64 = arith.constant 16 : i32
      %mul3A_65 = arith.muli %add3A_63, %mul3A_64 : i32
      %get3A_66 = arith.index_cast %mul3A_65 : i32 to index
      %get3A_67 = tpu.vector_load %arg5[%get3A_66] {strides = array<i32>} : memref<4096xi32, #tpu.memory_space<vmem>>, vector<16xi32>,
      %gt3A_68 = arith.cmpi ugt, %get3A_67, %broadcast_in_dim3A : vector<16xi32>
      %jit3A_69 = arith.constant 1 : i32
      %jit3A_70 = arith.constant 0 : i32
      %broadcast_in_dim3A_71 = vector.broadcast %jit3A_69 : i32 to vector<16xi32>
      %broadcast_in_dim3A_72 = vector.broadcast %jit3A_70 : i32 to vector<16xi32>
      %select_n3A_73 = arith.select %gt3A_68, %broadcast_in_dim3A_71, %broadcast_in_dim3A_72 : vector<16xi1>, vector<16xi32>
      %add3A_74 = arith.addi %add3A_59, %select_n3A_73 : vector<16xi32>
      %mul3A_75 = arith.constant 8 : i32
      %mul3A_76 = arith.muli %scan3A_31, %mul3A_75 : i32
      %add3A_77 = arith.constant 3 : i32
      %add3A_78 = arith.addi %mul3A_76, %add3A_77 : i32
      %mul3A_79 = arith.constant 16 : i32
      %mul3A_80 = arith.muli %add3A_78, %mul3A_79 : i32
      %get3A_81 = arith.index_cast %mul3A_80 : i32 to index
      %get3A_82 = tpu.vector_load %arg5[%get3A_81] {strides = array<i32>} : memref<4096xi32, #tpu.memory_space<vmem>>, vector<16xi32>,
      %gt3A_83 = arith.cmpi ugt, %get3A_82, %broadcast_in_dim3A : vector<16xi32>
      %jit3A_84 = arith.constant 1 : i32
      %jit3A_85 = arith.constant 0 : i32
      %broadcast_in_dim3A_86 = vector.broadcast %jit3A_84 : i32 to vector<16xi32>
      %broadcast_in_dim3A_87 = vector.broadcast %jit3A_85 : i32 to vector<16xi32>
      %select_n3A_88 = arith.select %gt3A_83, %broadcast_in_dim3A_86, %broadcast_in_dim3A_87 : vector<16xi1>, vector<16xi32>
      %add3A_89 = arith.addi %add3A_74, %select_n3A_88 : vector<16xi32>
      %mul3A_90 = arith.constant 8 : i32
      %mul3A_91 = arith.muli %scan3A_31, %mul3A_90 : i32
      %add3A_92 = arith.constant 4 : i32
      %add3A_93 = arith.addi %mul3A_91, %add3A_92 : i32
      %mul3A_94 = arith.constant 16 : i32
      %mul3A_95 = arith.muli %add3A_93, %mul3A_94 : i32
      %get3A_96 = arith.index_cast %mul3A_95 : i32 to index
      %get3A_97 = tpu.vector_load %arg5[%get3A_96] {strides = array<i32>} : memref<4096xi32, #tpu.memory_space<vmem>>, vector<16xi32>,
      %gt3A_98 = arith.cmpi ugt, %get3A_97, %broadcast_in_dim3A : vector<16xi32>
      %jit3A_99 = arith.constant 1 : i32
      %jit3A_100 = arith.constant 0 : i32
      %broadcast_in_dim3A_101 = vector.broadcast %jit3A_99 : i32 to vector<16xi32>
      %broadcast_in_dim3A_102 = vector.broadcast %jit3A_100 : i32 to vector<16xi32>
      %select_n3A_103 = arith.select %gt3A_98, %broadcast_in_dim3A_101, %broadcast_in_dim3A_102 : vector<16xi1>, vector<16xi32>
      %add3A_104 = arith.addi %add3A_89, %select_n3A_103 : vector<16xi32>
      %mul3A_105 = arith.constant 8 : i32
      %mul3A_106 = arith.muli %scan3A_31, %mul3A_105 : i32
      %add3A_107 = arith.constant 5 : i32
      %add3A_108 = arith.addi %mul3A_106, %add3A_107 : i32
      %mul3A_109 = arith.constant 16 : i32
      %mul3A_110 = arith.muli %add3A_108, %mul3A_109 : i32
      %get3A_111 = arith.index_cast %mul3A_110 : i32 to index
      %get3A_112 = tpu.vector_load %arg5[%get3A_111] {strides = array<i32>} : memref<4096xi32, #tpu.memory_space<vmem>>, vector<16xi32>,
      %gt3A_113 = arith.cmpi ugt, %get3A_112, %broadcast_in_dim3A : vector<16xi32>
      %jit3A_114 = arith.constant 1 : i32
      %jit3A_115 = arith.constant 0 : i32
      %broadcast_in_dim3A_116 = vector.broadcast %jit3A_114 : i32 to vector<16xi32>
      %broadcast_in_dim3A_117 = vector.broadcast %jit3A_115 : i32 to vector<16xi32>
      %select_n3A_118 = arith.select %gt3A_113, %broadcast_in_dim3A_116, %broadcast_in_dim3A_117 : vector<16xi1>, vector<16xi32>
      %add3A_119 = arith.addi %add3A_104, %select_n3A_118 : vector<16xi32>
      %mul3A_120 = arith.constant 8 : i32
      %mul3A_121 = arith.muli %scan3A_31, %mul3A_120 : i32
      %add3A_122 = arith.constant 6 : i32
      %add3A_123 = arith.addi %mul3A_121, %add3A_122 : i32
      %mul3A_124 = arith.constant 16 : i32
      %mul3A_125 = arith.muli %add3A_123, %mul3A_124 : i32
      %get3A_126 = arith.index_cast %mul3A_125 : i32 to index
      %get3A_127 = tpu.vector_load %arg5[%get3A_126] {strides = array<i32>} : memref<4096xi32, #tpu.memory_space<vmem>>, vector<16xi32>,
      %gt3A_128 = arith.cmpi ugt, %get3A_127, %broadcast_in_dim3A : vector<16xi32>
      %jit3A_129 = arith.constant 1 : i32
      %jit3A_130 = arith.constant 0 : i32
      %broadcast_in_dim3A_131 = vector.broadcast %jit3A_129 : i32 to vector<16xi32>
      %broadcast_in_dim3A_132 = vector.broadcast %jit3A_130 : i32 to vector<16xi32>
      %select_n3A_133 = arith.select %gt3A_128, %broadcast_in_dim3A_131, %broadcast_in_dim3A_132 : vector<16xi1>, vector<16xi32>
      %add3A_134 = arith.addi %add3A_119, %select_n3A_133 : vector<16xi32>
      %mul3A_135 = arith.constant 8 : i32
      %mul3A_136 = arith.muli %scan3A_31, %mul3A_135 : i32
      %add3A_137 = arith.constant 7 : i32
      %add3A_138 = arith.addi %mul3A_136, %add3A_137 : i32
      %mul3A_139 = arith.constant 16 : i32
      %mul3A_140 = arith.muli %add3A_138, %mul3A_139 : i32
      %get3A_141 = arith.index_cast %mul3A_140 : i32 to index
      %get3A_142 = tpu.vector_load %arg5[%get3A_141] {strides = array<i32>} : memref<4096xi32, #tpu.memory_space<vmem>>, vector<16xi32>,
      %gt3A_143 = arith.cmpi ugt, %get3A_142, %broadcast_in_dim3A : vector<16xi32>
      %jit3A_144 = arith.constant 1 : i32
      %jit3A_145 = arith.constant 0 : i32
      %broadcast_in_dim3A_146 = vector.broadcast %jit3A_144 : i32 to vector<16xi32>
      %broadcast_in_dim3A_147 = vector.broadcast %jit3A_145 : i32 to vector<16xi32>
      %select_n3A_148 = arith.select %gt3A_143, %broadcast_in_dim3A_146, %broadcast_in_dim3A_147 : vector<16xi1>, vector<16xi32>
      %add3A_149 = arith.addi %add3A_134, %select_n3A_148 : vector<16xi32>
      scf.yield %add3A_149 : vector<16xi32>
    }
    %scan3A_19 = arith.constant 32 : i32
    %reduce_sum3A_20 = arith.constant true
    %reduce_sum3A_21 = vector.broadcast %reduce_sum3A_20 : i1 to vector<16xi1>
    %reduce_sum3A_22 = tpu.scan <sum>, %scan3A_18 masked %reduce_sum3A_21 : vector<16xi32>, vector<16xi1> -> vector<16xi32>
    %reduce_sum3A_23 = vector.extract %reduce_sum3A_22[15] : i32 from vector<16xi32>
    %sub3A = arith.subi %shift_right_arithmetic3A_5, %reduce_sum3A_23 : i32
    %scan3A_24 = arith.constant 0 : i32
    %scan3A_25 = arith.constant 0 : i32
    %scan3A_26 = arith.constant 32 : i32
    %scan3A_27 = arith.addi %scan3A_25, %scan3A_26 : i32
    %scan3A_28 = arith.constant 1 : i32
    %scan3A_29 = scf.for %scan3A_31 = %scan3A_25 to %scan3A_27 step %scan3A_28 iter_args(%scan3A_32 = %scan3A_24) -> (i32)  : i32 {
      %mul3A_33 = arith.constant 8 : i32
      %mul3A_34 = arith.muli %scan3A_31, %mul3A_33 : i32
      %add3A_35 = arith.constant 0 : i32
      %add3A_36 = arith.addi %mul3A_34, %add3A_35 : i32
      %mul3A_37 = arith.constant 16 : i32
      %mul3A_38 = arith.muli %add3A_36, %mul3A_37 : i32
      %get3A_39 = arith.index_cast %mul3A_38 : i32 to index
      %get3A_40 = tpu.vector_load %arg5[%get3A_39] {strides = array<i32>} : memref<4096xi32, #tpu.memory_space<vmem>>, vector<16xi32>,
      %gt3A = arith.cmpi ugt, %get3A_40, %broadcast_in_dim3A : vector<16xi32>
      %eq3A = arith.cmpi eq, %get3A_40, %broadcast_in_dim3A : vector<16xi32>
      %jit3A = arith.constant 1 : i32
      %jit3A_41 = arith.constant 0 : i32
      %broadcast_in_dim3A_42 = vector.broadcast %jit3A : i32 to vector<16xi32>
      %broadcast_in_dim3A_43 = vector.broadcast %jit3A_41 : i32 to vector<16xi32>
      %select_n3A = arith.select %eq3A, %broadcast_in_dim3A_42, %broadcast_in_dim3A_43 : vector<16xi1>, vector<16xi32>
      %broadcast_in_dim3A_44 = arith.constant true
      %broadcast_in_dim3A_45 = vector.broadcast %broadcast_in_dim3A_44 : i1 to vector<16xi1>
      %masked_cumsum3A = tpu.scan <sum>, %select_n3A masked %broadcast_in_dim3A_45 : vector<16xi32>, vector<16xi1> -> vector<16xi32>
      %add3A_46 = vector.broadcast %scan3A_32 : i32 to vector<16xi32>
      %add3A_47 = arith.addi %add3A_46, %masked_cumsum3A : vector<16xi32>
      %le3A = vector.broadcast %sub3A : i32 to vector<16xi32>
      %le3A_48 = arith.cmpi sle, %add3A_47, %le3A : vector<16xi32>
      %and3A = arith.andi %eq3A, %le3A_48 : vector<16xi1>
      %or3A = arith.ori %gt3A, %and3A : vector<16xi1>
      %jit3A_49 = arith.constant 1.000000e+00 : f32
      %jit3A_50 = arith.constant 0.000000e+00 : f32
      %broadcast_in_dim3A_51 = vector.broadcast %jit3A_49 : f32 to vector<16xf32>
      %broadcast_in_dim3A_52 = vector.broadcast %jit3A_50 : f32 to vector<16xf32>
      %select_n3A_53 = arith.select %or3A, %broadcast_in_dim3A_51, %broadcast_in_dim3A_52 : vector<16xi1>, vector<16xf32>
      %mul3A_54 = arith.constant 16 : i32
      %mul3A_55 = arith.muli %add3A_36, %mul3A_54 : i32
      %swap3A = arith.index_cast %mul3A_55 : i32 to index
      %swap3A_56 = tpu.vector_load %arg6[%swap3A] {strides = array<i32>} : memref<4096xf32, #tpu.memory_space<vmem>>, vector<16xf32>,
      tpu.vector_store %arg6[%swap3A], %select_n3A_53 {strides = array<i32>} : memref<4096xf32, #tpu.memory_space<vmem>>, vector<16xf32>,
      %reduce_sum3A_57 = arith.constant true
      %reduce_sum3A_58 = vector.broadcast %reduce_sum3A_57 : i1 to vector<16xi1>
      %reduce_sum3A_59 = tpu.scan <sum>, %select_n3A masked %reduce_sum3A_58 : vector<16xi32>, vector<16xi1> -> vector<16xi32>
      %reduce_sum3A_60 = vector.extract %reduce_sum3A_59[15] : i32 from vector<16xi32>
      %add3A_61 = arith.addi %scan3A_32, %reduce_sum3A_60 : i32
      %mul3A_62 = arith.constant 8 : i32
      %mul3A_63 = arith.muli %scan3A_31, %mul3A_62 : i32
      %add3A_64 = arith.constant 1 : i32
      %add3A_65 = arith.addi %mul3A_63, %add3A_64 : i32
      %mul3A_66 = arith.constant 16 : i32
      %mul3A_67 = arith.muli %add3A_65, %mul3A_66 : i32
      %get3A_68 = arith.index_cast %mul3A_67 : i32 to index
      %get3A_69 = tpu.vector_load %arg5[%get3A_68] {strides = array<i32>} : memref<4096xi32, #tpu.memory_space<vmem>>, vector<16xi32>,
      %gt3A_70 = arith.cmpi ugt, %get3A_69, %broadcast_in_dim3A : vector<16xi32>
      %eq3A_71 = arith.cmpi eq, %get3A_69, %broadcast_in_dim3A : vector<16xi32>
      %jit3A_72 = arith.constant 1 : i32
      %jit3A_73 = arith.constant 0 : i32
      %broadcast_in_dim3A_74 = vector.broadcast %jit3A_72 : i32 to vector<16xi32>
      %broadcast_in_dim3A_75 = vector.broadcast %jit3A_73 : i32 to vector<16xi32>
      %select_n3A_76 = arith.select %eq3A_71, %broadcast_in_dim3A_74, %broadcast_in_dim3A_75 : vector<16xi1>, vector<16xi32>
      %broadcast_in_dim3A_77 = arith.constant true
      %broadcast_in_dim3A_78 = vector.broadcast %broadcast_in_dim3A_77 : i1 to vector<16xi1>
      %masked_cumsum3A_79 = tpu.scan <sum>, %select_n3A_76 masked %broadcast_in_dim3A_78 : vector<16xi32>, vector<16xi1> -> vector<16xi32>
      %add3A_80 = vector.broadcast %add3A_61 : i32 to vector<16xi32>
      %add3A_81 = arith.addi %add3A_80, %masked_cumsum3A_79 : vector<16xi32>
      %le3A_82 = vector.broadcast %sub3A : i32 to vector<16xi32>
      %le3A_83 = arith.cmpi sle, %add3A_81, %le3A_82 : vector<16xi32>
      %and3A_84 = arith.andi %eq3A_71, %le3A_83 : vector<16xi1>
      %or3A_85 = arith.ori %gt3A_70, %and3A_84 : vector<16xi1>
      %jit3A_86 = arith.constant 1.000000e+00 : f32
      %jit3A_87 = arith.constant 0.000000e+00 : f32
      %broadcast_in_dim3A_88 = vector.broadcast %jit3A_86 : f32 to vector<16xf32>
      %broadcast_in_dim3A_89 = vector.broadcast %jit3A_87 : f32 to vector<16xf32>
      %select_n3A_90 = arith.select %or3A_85, %broadcast_in_dim3A_88, %broadcast_in_dim3A_89 : vector<16xi1>, vector<16xf32>
      %mul3A_91 = arith.constant 16 : i32
      %mul3A_92 = arith.muli %add3A_65, %mul3A_91 : i32
      %swap3A_93 = arith.index_cast %mul3A_92 : i32 to index
      %swap3A_94 = tpu.vector_load %arg6[%swap3A_93] {strides = array<i32>} : memref<4096xf32, #tpu.memory_space<vmem>>, vector<16xf32>,
      tpu.vector_store %arg6[%swap3A_93], %select_n3A_90 {strides = array<i32>} : memref<4096xf32, #tpu.memory_space<vmem>>, vector<16xf32>,
      %reduce_sum3A_95 = arith.constant true
      %reduce_sum3A_96 = vector.broadcast %reduce_sum3A_95 : i1 to vector<16xi1>
      %reduce_sum3A_97 = tpu.scan <sum>, %select_n3A_76 masked %reduce_sum3A_96 : vector<16xi32>, vector<16xi1> -> vector<16xi32>
      %reduce_sum3A_98 = vector.extract %reduce_sum3A_97[15] : i32 from vector<16xi32>
      %add3A_99 = arith.addi %add3A_61, %reduce_sum3A_98 : i32
      %mul3A_100 = arith.constant 8 : i32
      %mul3A_101 = arith.muli %scan3A_31, %mul3A_100 : i32
      %add3A_102 = arith.constant 2 : i32
      %add3A_103 = arith.addi %mul3A_101, %add3A_102 : i32
      %mul3A_104 = arith.constant 16 : i32
      %mul3A_105 = arith.muli %add3A_103, %mul3A_104 : i32
      %get3A_106 = arith.index_cast %mul3A_105 : i32 to index
      %get3A_107 = tpu.vector_load %arg5[%get3A_106] {strides = array<i32>} : memref<4096xi32, #tpu.memory_space<vmem>>, vector<16xi32>,
      %gt3A_108 = arith.cmpi ugt, %get3A_107, %broadcast_in_dim3A : vector<16xi32>
      %eq3A_109 = arith.cmpi eq, %get3A_107, %broadcast_in_dim3A : vector<16xi32>
      %jit3A_110 = arith.constant 1 : i32
      %jit3A_111 = arith.constant 0 : i32
      %broadcast_in_dim3A_112 = vector.broadcast %jit3A_110 : i32 to vector<16xi32>
      %broadcast_in_dim3A_113 = vector.broadcast %jit3A_111 : i32 to vector<16xi32>
      %select_n3A_114 = arith.select %eq3A_109, %broadcast_in_dim3A_112, %broadcast_in_dim3A_113 : vector<16xi1>, vector<16xi32>
      %broadcast_in_dim3A_115 = arith.constant true
      %broadcast_in_dim3A_116 = vector.broadcast %broadcast_in_dim3A_115 : i1 to vector<16xi1>
      %masked_cumsum3A_117 = tpu.scan <sum>, %select_n3A_114 masked %broadcast_in_dim3A_116 : vector<16xi32>, vector<16xi1> -> vector<16xi32>
      %add3A_118 = vector.broadcast %add3A_99 : i32 to vector<16xi32>
      %add3A_119 = arith.addi %add3A_118, %masked_cumsum3A_117 : vector<16xi32>
      %le3A_120 = vector.broadcast %sub3A : i32 to vector<16xi32>
      %le3A_121 = arith.cmpi sle, %add3A_119, %le3A_120 : vector<16xi32>
      %and3A_122 = arith.andi %eq3A_109, %le3A_121 : vector<16xi1>
      %or3A_123 = arith.ori %gt3A_108, %and3A_122 : vector<16xi1>
      %jit3A_124 = arith.constant 1.000000e+00 : f32
      %jit3A_125 = arith.constant 0.000000e+00 : f32
      %broadcast_in_dim3A_126 = vector.broadcast %jit3A_124 : f32 to vector<16xf32>
      %broadcast_in_dim3A_127 = vector.broadcast %jit3A_125 : f32 to vector<16xf32>
      %select_n3A_128 = arith.select %or3A_123, %broadcast_in_dim3A_126, %broadcast_in_dim3A_127 : vector<16xi1>, vector<16xf32>
      %mul3A_129 = arith.constant 16 : i32
      %mul3A_130 = arith.muli %add3A_103, %mul3A_129 : i32
      %swap3A_131 = arith.index_cast %mul3A_130 : i32 to index
      %swap3A_132 = tpu.vector_load %arg6[%swap3A_131] {strides = array<i32>} : memref<4096xf32, #tpu.memory_space<vmem>>, vector<16xf32>,
      tpu.vector_store %arg6[%swap3A_131], %select_n3A_128 {strides = array<i32>} : memref<4096xf32, #tpu.memory_space<vmem>>, vector<16xf32>,
      %reduce_sum3A_133 = arith.constant true
      %reduce_sum3A_134 = vector.broadcast %reduce_sum3A_133 : i1 to vector<16xi1>
      %reduce_sum3A_135 = tpu.scan <sum>, %select_n3A_114 masked %reduce_sum3A_134 : vector<16xi32>, vector<16xi1> -> vector<16xi32>
      %reduce_sum3A_136 = vector.extract %reduce_sum3A_135[15] : i32 from vector<16xi32>
      %add3A_137 = arith.addi %add3A_99, %reduce_sum3A_136 : i32
      %mul3A_138 = arith.constant 8 : i32
      %mul3A_139 = arith.muli %scan3A_31, %mul3A_138 : i32
      %add3A_140 = arith.constant 3 : i32
      %add3A_141 = arith.addi %mul3A_139, %add3A_140 : i32
      %mul3A_142 = arith.constant 16 : i32
      %mul3A_143 = arith.muli %add3A_141, %mul3A_142 : i32
      %get3A_144 = arith.index_cast %mul3A_143 : i32 to index
      %get3A_145 = tpu.vector_load %arg5[%get3A_144] {strides = array<i32>} : memref<4096xi32, #tpu.memory_space<vmem>>, vector<16xi32>,
      %gt3A_146 = arith.cmpi ugt, %get3A_145, %broadcast_in_dim3A : vector<16xi32>
      %eq3A_147 = arith.cmpi eq, %get3A_145, %broadcast_in_dim3A : vector<16xi32>
      %jit3A_148 = arith.constant 1 : i32
      %jit3A_149 = arith.constant 0 : i32
      %broadcast_in_dim3A_150 = vector.broadcast %jit3A_148 : i32 to vector<16xi32>
      %broadcast_in_dim3A_151 = vector.broadcast %jit3A_149 : i32 to vector<16xi32>
      %select_n3A_152 = arith.select %eq3A_147, %broadcast_in_dim3A_150, %broadcast_in_dim3A_151 : vector<16xi1>, vector<16xi32>
      %broadcast_in_dim3A_153 = arith.constant true
      %broadcast_in_dim3A_154 = vector.broadcast %broadcast_in_dim3A_153 : i1 to vector<16xi1>
      %masked_cumsum3A_155 = tpu.scan <sum>, %select_n3A_152 masked %broadcast_in_dim3A_154 : vector<16xi32>, vector<16xi1> -> vector<16xi32>
      %add3A_156 = vector.broadcast %add3A_137 : i32 to vector<16xi32>
      %add3A_157 = arith.addi %add3A_156, %masked_cumsum3A_155 : vector<16xi32>
      %le3A_158 = vector.broadcast %sub3A : i32 to vector<16xi32>
      %le3A_159 = arith.cmpi sle, %add3A_157, %le3A_158 : vector<16xi32>
      %and3A_160 = arith.andi %eq3A_147, %le3A_159 : vector<16xi1>
      %or3A_161 = arith.ori %gt3A_146, %and3A_160 : vector<16xi1>
      %jit3A_162 = arith.constant 1.000000e+00 : f32
      %jit3A_163 = arith.constant 0.000000e+00 : f32
      %broadcast_in_dim3A_164 = vector.broadcast %jit3A_162 : f32 to vector<16xf32>
      %broadcast_in_dim3A_165 = vector.broadcast %jit3A_163 : f32 to vector<16xf32>
      %select_n3A_166 = arith.select %or3A_161, %broadcast_in_dim3A_164, %broadcast_in_dim3A_165 : vector<16xi1>, vector<16xf32>
      %mul3A_167 = arith.constant 16 : i32
      %mul3A_168 = arith.muli %add3A_141, %mul3A_167 : i32
      %swap3A_169 = arith.index_cast %mul3A_168 : i32 to index
      %swap3A_170 = tpu.vector_load %arg6[%swap3A_169] {strides = array<i32>} : memref<4096xf32, #tpu.memory_space<vmem>>, vector<16xf32>,
      tpu.vector_store %arg6[%swap3A_169], %select_n3A_166 {strides = array<i32>} : memref<4096xf32, #tpu.memory_space<vmem>>, vector<16xf32>,
      %reduce_sum3A_171 = arith.constant true
      %reduce_sum3A_172 = vector.broadcast %reduce_sum3A_171 : i1 to vector<16xi1>
      %reduce_sum3A_173 = tpu.scan <sum>, %select_n3A_152 masked %reduce_sum3A_172 : vector<16xi32>, vector<16xi1> -> vector<16xi32>
      %reduce_sum3A_174 = vector.extract %reduce_sum3A_173[15] : i32 from vector<16xi32>
      %add3A_175 = arith.addi %add3A_137, %reduce_sum3A_174 : i32
      %mul3A_176 = arith.constant 8 : i32
      %mul3A_177 = arith.muli %scan3A_31, %mul3A_176 : i32
      %add3A_178 = arith.constant 4 : i32
      %add3A_179 = arith.addi %mul3A_177, %add3A_178 : i32
      %mul3A_180 = arith.constant 16 : i32
      %mul3A_181 = arith.muli %add3A_179, %mul3A_180 : i32
      %get3A_182 = arith.index_cast %mul3A_181 : i32 to index
      %get3A_183 = tpu.vector_load %arg5[%get3A_182] {strides = array<i32>} : memref<4096xi32, #tpu.memory_space<vmem>>, vector<16xi32>,
      %gt3A_184 = arith.cmpi ugt, %get3A_183, %broadcast_in_dim3A : vector<16xi32>
      %eq3A_185 = arith.cmpi eq, %get3A_183, %broadcast_in_dim3A : vector<16xi32>
      %jit3A_186 = arith.constant 1 : i32
      %jit3A_187 = arith.constant 0 : i32
      %broadcast_in_dim3A_188 = vector.broadcast %jit3A_186 : i32 to vector<16xi32>
      %broadcast_in_dim3A_189 = vector.broadcast %jit3A_187 : i32 to vector<16xi32>
      %select_n3A_190 = arith.select %eq3A_185, %broadcast_in_dim3A_188, %broadcast_in_dim3A_189 : vector<16xi1>, vector<16xi32>
      %broadcast_in_dim3A_191 = arith.constant true
      %broadcast_in_dim3A_192 = vector.broadcast %broadcast_in_dim3A_191 : i1 to vector<16xi1>
      %masked_cumsum3A_193 = tpu.scan <sum>, %select_n3A_190 masked %broadcast_in_dim3A_192 : vector<16xi32>, vector<16xi1> -> vector<16xi32>
      %add3A_194 = vector.broadcast %add3A_175 : i32 to vector<16xi32>
      %add3A_195 = arith.addi %add3A_194, %masked_cumsum3A_193 : vector<16xi32>
      %le3A_196 = vector.broadcast %sub3A : i32 to vector<16xi32>
      %le3A_197 = arith.cmpi sle, %add3A_195, %le3A_196 : vector<16xi32>
      %and3A_198 = arith.andi %eq3A_185, %le3A_197 : vector<16xi1>
      %or3A_199 = arith.ori %gt3A_184, %and3A_198 : vector<16xi1>
      %jit3A_200 = arith.constant 1.000000e+00 : f32
      %jit3A_201 = arith.constant 0.000000e+00 : f32
      %broadcast_in_dim3A_202 = vector.broadcast %jit3A_200 : f32 to vector<16xf32>
      %broadcast_in_dim3A_203 = vector.broadcast %jit3A_201 : f32 to vector<16xf32>
      %select_n3A_204 = arith.select %or3A_199, %broadcast_in_dim3A_202, %broadcast_in_dim3A_203 : vector<16xi1>, vector<16xf32>
      %mul3A_205 = arith.constant 16 : i32
      %mul3A_206 = arith.muli %add3A_179, %mul3A_205 : i32
      %swap3A_207 = arith.index_cast %mul3A_206 : i32 to index
      %swap3A_208 = tpu.vector_load %arg6[%swap3A_207] {strides = array<i32>} : memref<4096xf32, #tpu.memory_space<vmem>>, vector<16xf32>,
      tpu.vector_store %arg6[%swap3A_207], %select_n3A_204 {strides = array<i32>} : memref<4096xf32, #tpu.memory_space<vmem>>, vector<16xf32>,
      %reduce_sum3A_209 = arith.constant true
      %reduce_sum3A_210 = vector.broadcast %reduce_sum3A_209 : i1 to vector<16xi1>
      %reduce_sum3A_211 = tpu.scan <sum>, %select_n3A_190 masked %reduce_sum3A_210 : vector<16xi32>, vector<16xi1> -> vector<16xi32>
      %reduce_sum3A_212 = vector.extract %reduce_sum3A_211[15] : i32 from vector<16xi32>
      %add3A_213 = arith.addi %add3A_175, %reduce_sum3A_212 : i32
      %mul3A_214 = arith.constant 8 : i32
      %mul3A_215 = arith.muli %scan3A_31, %mul3A_214 : i32
      %add3A_216 = arith.constant 5 : i32
      %add3A_217 = arith.addi %mul3A_215, %add3A_216 : i32
      %mul3A_218 = arith.constant 16 : i32
      %mul3A_219 = arith.muli %add3A_217, %mul3A_218 : i32
      %get3A_220 = arith.index_cast %mul3A_219 : i32 to index
      %get3A_221 = tpu.vector_load %arg5[%get3A_220] {strides = array<i32>} : memref<4096xi32, #tpu.memory_space<vmem>>, vector<16xi32>,
      %gt3A_222 = arith.cmpi ugt, %get3A_221, %broadcast_in_dim3A : vector<16xi32>
      %eq3A_223 = arith.cmpi eq, %get3A_221, %broadcast_in_dim3A : vector<16xi32>
      %jit3A_224 = arith.constant 1 : i32
      %jit3A_225 = arith.constant 0 : i32
      %broadcast_in_dim3A_226 = vector.broadcast %jit3A_224 : i32 to vector<16xi32>
      %broadcast_in_dim3A_227 = vector.broadcast %jit3A_225 : i32 to vector<16xi32>
      %select_n3A_228 = arith.select %eq3A_223, %broadcast_in_dim3A_226, %broadcast_in_dim3A_227 : vector<16xi1>, vector<16xi32>
      %broadcast_in_dim3A_229 = arith.constant true
      %broadcast_in_dim3A_230 = vector.broadcast %broadcast_in_dim3A_229 : i1 to vector<16xi1>
      %masked_cumsum3A_231 = tpu.scan <sum>, %select_n3A_228 masked %broadcast_in_dim3A_230 : vector<16xi32>, vector<16xi1> -> vector<16xi32>
      %add3A_232 = vector.broadcast %add3A_213 : i32 to vector<16xi32>
      %add3A_233 = arith.addi %add3A_232, %masked_cumsum3A_231 : vector<16xi32>
      %le3A_234 = vector.broadcast %sub3A : i32 to vector<16xi32>
      %le3A_235 = arith.cmpi sle, %add3A_233, %le3A_234 : vector<16xi32>
      %and3A_236 = arith.andi %eq3A_223, %le3A_235 : vector<16xi1>
      %or3A_237 = arith.ori %gt3A_222, %and3A_236 : vector<16xi1>
      %jit3A_238 = arith.constant 1.000000e+00 : f32
      %jit3A_239 = arith.constant 0.000000e+00 : f32
      %broadcast_in_dim3A_240 = vector.broadcast %jit3A_238 : f32 to vector<16xf32>
      %broadcast_in_dim3A_241 = vector.broadcast %jit3A_239 : f32 to vector<16xf32>
      %select_n3A_242 = arith.select %or3A_237, %broadcast_in_dim3A_240, %broadcast_in_dim3A_241 : vector<16xi1>, vector<16xf32>
      %mul3A_243 = arith.constant 16 : i32
      %mul3A_244 = arith.muli %add3A_217, %mul3A_243 : i32
      %swap3A_245 = arith.index_cast %mul3A_244 : i32 to index
      %swap3A_246 = tpu.vector_load %arg6[%swap3A_245] {strides = array<i32>} : memref<4096xf32, #tpu.memory_space<vmem>>, vector<16xf32>,
      tpu.vector_store %arg6[%swap3A_245], %select_n3A_242 {strides = array<i32>} : memref<4096xf32, #tpu.memory_space<vmem>>, vector<16xf32>,
      %reduce_sum3A_247 = arith.constant true
      %reduce_sum3A_248 = vector.broadcast %reduce_sum3A_247 : i1 to vector<16xi1>
      %reduce_sum3A_249 = tpu.scan <sum>, %select_n3A_228 masked %reduce_sum3A_248 : vector<16xi32>, vector<16xi1> -> vector<16xi32>
      %reduce_sum3A_250 = vector.extract %reduce_sum3A_249[15] : i32 from vector<16xi32>
      %add3A_251 = arith.addi %add3A_213, %reduce_sum3A_250 : i32
      %mul3A_252 = arith.constant 8 : i32
      %mul3A_253 = arith.muli %scan3A_31, %mul3A_252 : i32
      %add3A_254 = arith.constant 6 : i32
      %add3A_255 = arith.addi %mul3A_253, %add3A_254 : i32
      %mul3A_256 = arith.constant 16 : i32
      %mul3A_257 = arith.muli %add3A_255, %mul3A_256 : i32
      %get3A_258 = arith.index_cast %mul3A_257 : i32 to index
      %get3A_259 = tpu.vector_load %arg5[%get3A_258] {strides = array<i32>} : memref<4096xi32, #tpu.memory_space<vmem>>, vector<16xi32>,
      %gt3A_260 = arith.cmpi ugt, %get3A_259, %broadcast_in_dim3A : vector<16xi32>
      %eq3A_261 = arith.cmpi eq, %get3A_259, %broadcast_in_dim3A : vector<16xi32>
      %jit3A_262 = arith.constant 1 : i32
      %jit3A_263 = arith.constant 0 : i32
      %broadcast_in_dim3A_264 = vector.broadcast %jit3A_262 : i32 to vector<16xi32>
      %broadcast_in_dim3A_265 = vector.broadcast %jit3A_263 : i32 to vector<16xi32>
      %select_n3A_266 = arith.select %eq3A_261, %broadcast_in_dim3A_264, %broadcast_in_dim3A_265 : vector<16xi1>, vector<16xi32>
      %broadcast_in_dim3A_267 = arith.constant true
      %broadcast_in_dim3A_268 = vector.broadcast %broadcast_in_dim3A_267 : i1 to vector<16xi1>
      %masked_cumsum3A_269 = tpu.scan <sum>, %select_n3A_266 masked %broadcast_in_dim3A_268 : vector<16xi32>, vector<16xi1> -> vector<16xi32>
      %add3A_270 = vector.broadcast %add3A_251 : i32 to vector<16xi32>
      %add3A_271 = arith.addi %add3A_270, %masked_cumsum3A_269 : vector<16xi32>
      %le3A_272 = vector.broadcast %sub3A : i32 to vector<16xi32>
      %le3A_273 = arith.cmpi sle, %add3A_271, %le3A_272 : vector<16xi32>
      %and3A_274 = arith.andi %eq3A_261, %le3A_273 : vector<16xi1>
      %or3A_275 = arith.ori %gt3A_260, %and3A_274 : vector<16xi1>
      %jit3A_276 = arith.constant 1.000000e+00 : f32
      %jit3A_277 = arith.constant 0.000000e+00 : f32
      %broadcast_in_dim3A_278 = vector.broadcast %jit3A_276 : f32 to vector<16xf32>
      %broadcast_in_dim3A_279 = vector.broadcast %jit3A_277 : f32 to vector<16xf32>
      %select_n3A_280 = arith.select %or3A_275, %broadcast_in_dim3A_278, %broadcast_in_dim3A_279 : vector<16xi1>, vector<16xf32>
      %mul3A_281 = arith.constant 16 : i32
      %mul3A_282 = arith.muli %add3A_255, %mul3A_281 : i32
      %swap3A_283 = arith.index_cast %mul3A_282 : i32 to index
      %swap3A_284 = tpu.vector_load %arg6[%swap3A_283] {strides = array<i32>} : memref<4096xf32, #tpu.memory_space<vmem>>, vector<16xf32>,
      tpu.vector_store %arg6[%swap3A_283], %select_n3A_280 {strides = array<i32>} : memref<4096xf32, #tpu.memory_space<vmem>>, vector<16xf32>,
      %reduce_sum3A_285 = arith.constant true
      %reduce_sum3A_286 = vector.broadcast %reduce_sum3A_285 : i1 to vector<16xi1>
      %reduce_sum3A_287 = tpu.scan <sum>, %select_n3A_266 masked %reduce_sum3A_286 : vector<16xi32>, vector<16xi1> -> vector<16xi32>
      %reduce_sum3A_288 = vector.extract %reduce_sum3A_287[15] : i32 from vector<16xi32>
      %add3A_289 = arith.addi %add3A_251, %reduce_sum3A_288 : i32
      %mul3A_290 = arith.constant 8 : i32
      %mul3A_291 = arith.muli %scan3A_31, %mul3A_290 : i32
      %add3A_292 = arith.constant 7 : i32
      %add3A_293 = arith.addi %mul3A_291, %add3A_292 : i32
      %mul3A_294 = arith.constant 16 : i32
      %mul3A_295 = arith.muli %add3A_293, %mul3A_294 : i32
      %get3A_296 = arith.index_cast %mul3A_295 : i32 to index
      %get3A_297 = tpu.vector_load %arg5[%get3A_296] {strides = array<i32>} : memref<4096xi32, #tpu.memory_space<vmem>>, vector<16xi32>,
      %gt3A_298 = arith.cmpi ugt, %get3A_297, %broadcast_in_dim3A : vector<16xi32>
      %eq3A_299 = arith.cmpi eq, %get3A_297, %broadcast_in_dim3A : vector<16xi32>
      %jit3A_300 = arith.constant 1 : i32
      %jit3A_301 = arith.constant 0 : i32
      %broadcast_in_dim3A_302 = vector.broadcast %jit3A_300 : i32 to vector<16xi32>
      %broadcast_in_dim3A_303 = vector.broadcast %jit3A_301 : i32 to vector<16xi32>
      %select_n3A_304 = arith.select %eq3A_299, %broadcast_in_dim3A_302, %broadcast_in_dim3A_303 : vector<16xi1>, vector<16xi32>
      %broadcast_in_dim3A_305 = arith.constant true
      %broadcast_in_dim3A_306 = vector.broadcast %broadcast_in_dim3A_305 : i1 to vector<16xi1>
      %masked_cumsum3A_307 = tpu.scan <sum>, %select_n3A_304 masked %broadcast_in_dim3A_306 : vector<16xi32>, vector<16xi1> -> vector<16xi32>
      %add3A_308 = vector.broadcast %add3A_289 : i32 to vector<16xi32>
      %add3A_309 = arith.addi %add3A_308, %masked_cumsum3A_307 : vector<16xi32>
      %le3A_310 = vector.broadcast %sub3A : i32 to vector<16xi32>
      %le3A_311 = arith.cmpi sle, %add3A_309, %le3A_310 : vector<16xi32>
      %and3A_312 = arith.andi %eq3A_299, %le3A_311 : vector<16xi1>
      %or3A_313 = arith.ori %gt3A_298, %and3A_312 : vector<16xi1>
      %jit3A_314 = arith.constant 1.000000e+00 : f32
      %jit3A_315 = arith.constant 0.000000e+00 : f32
      %broadcast_in_dim3A_316 = vector.broadcast %jit3A_314 : f32 to vector<16xf32>
      %broadcast_in_dim3A_317 = vector.broadcast %jit3A_315 : f32 to vector<16xf32>
      %select_n3A_318 = arith.select %or3A_313, %broadcast_in_dim3A_316, %broadcast_in_dim3A_317 : vector<16xi1>, vector<16xf32>
      %mul3A_319 = arith.constant 16 : i32
      %mul3A_320 = arith.muli %add3A_293, %mul3A_319 : i32
      %swap3A_321 = arith.index_cast %mul3A_320 : i32 to index
      %swap3A_322 = tpu.vector_load %arg6[%swap3A_321] {strides = array<i32>} : memref<4096xf32, #tpu.memory_space<vmem>>, vector<16xf32>,
      tpu.vector_store %arg6[%swap3A_321], %select_n3A_318 {strides = array<i32>} : memref<4096xf32, #tpu.memory_space<vmem>>, vector<16xf32>,
      %reduce_sum3A_323 = arith.constant true
      %reduce_sum3A_324 = vector.broadcast %reduce_sum3A_323 : i1 to vector<16xi1>
      %reduce_sum3A_325 = tpu.scan <sum>, %select_n3A_304 masked %reduce_sum3A_324 : vector<16xi32>, vector<16xi1> -> vector<16xi32>
      %reduce_sum3A_326 = vector.extract %reduce_sum3A_325[15] : i32 from vector<16xi32>
      %add3A_327 = arith.addi %add3A_289, %reduce_sum3A_326 : i32
      scf.yield %add3A_327 : i32
    }
    %scan3A_30 = arith.constant 32 : i32
    "tpu.region"() ({
      %run_scoped3A = tpu.sem_alloc : memref<!tpu.dma_semaphore, #tpu.memory_space<semaphore_mem>>
      %dma_start3A = arith.constant 0 : i32
      %dma_start3A_31 = tpu.memref_slice %arg4[%add3A, %dma_start3A] : memref<32x4096xf32, #tpu.memory_space<hbm>> -> memref<1x4096xf32, #tpu.memory_space<hbm>>
      %dma_start3A_32 = tpu.memref_squeeze %dma_start3A_31 : memref<1x4096xf32, #tpu.memory_space<hbm>> -> memref<4096xf32, #tpu.memory_space<hbm>>
      %dma_start3A_33 = arith.constant 0 : i32
      %dma_start3A_34 = tpu.memref_slice %arg4[%add3A, %dma_start3A_33] : memref<32x4096xf32, #tpu.memory_space<hbm>> -> memref<1x4096xf32, #tpu.memory_space<hbm>>
      %dma_start3A_35 = tpu.memref_squeeze %dma_start3A_34 : memref<1x4096xf32, #tpu.memory_space<hbm>> -> memref<4096xf32, #tpu.memory_space<hbm>>
      tpu.enqueue_dma source(%arg6 : memref<4096xf32, #tpu.memory_space<vmem>>) target(%dma_start3A_35 : memref<4096xf32, #tpu.memory_space<hbm>>) target_semaphore(%run_scoped3A : memref<!tpu.dma_semaphore, #tpu.memory_space<semaphore_mem>>)
      %dma_wait3A = arith.constant 0 : i32
      %dma_wait3A_36 = tpu.memref_slice %arg4[%add3A, %dma_wait3A] : memref<32x4096xf32, #tpu.memory_space<hbm>> -> memref<1x4096xf32, #tpu.memory_space<hbm>>
      %dma_wait3A_37 = tpu.memref_squeeze %dma_wait3A_36 : memref<1x4096xf32, #tpu.memory_space<hbm>> -> memref<4096xf32, #tpu.memory_space<hbm>>
      %dma_wait3A_38 = arith.constant 0 : i32
      %dma_wait3A_39 = tpu.memref_slice %arg4[%add3A, %dma_wait3A_38] : memref<32x4096xf32, #tpu.memory_space<hbm>> -> memref<1x4096xf32, #tpu.memory_space<hbm>>
      %dma_wait3A_40 = tpu.memref_squeeze %dma_wait3A_39 : memref<1x4096xf32, #tpu.memory_space<hbm>> -> memref<4096xf32, #tpu.memory_space<hbm>>
      tpu.wait_dma2 semaphore(%run_scoped3A : memref<!tpu.dma_semaphore, #tpu.memory_space<semaphore_mem>>) src(%arg6 : memref<4096xf32, #tpu.memory_space<vmem>>) dst(%dma_wait3A_40 : memref<4096xf32, #tpu.memory_space<hbm>>)
      tpu.yield
    }) : () -> ()
    return
  }
}

module attributes {stable_mosaic.version = 14 : i64} {
  func.func @_dense_body(%arg0: i32, %arg1: i32, %arg2: memref<1x16x1024xf32, #tpu.memory_space<vmem>>, %arg3: memref<1x512x1024xf32, #tpu.memory_space<vmem>>, %arg4: memref<1x1x4096xf32, #tpu.memory_space<vmem>>, %arg5: memref<1x1x512xf32, #tpu.memory_space<vmem>>, %arg6: memref<128x1024xf32, #tpu.memory_space<vmem>>, %arg7: memref<1x128xf32, #tpu.memory_space<vmem>>, %arg8: memref<128x1024xf32, #tpu.memory_space<vmem>>, %arg9: memref<1x128xf32, #tpu.memory_space<vmem>>, %arg10: memref<128x1024xf32, #tpu.memory_space<vmem>>, %arg11: memref<1x128xf32, #tpu.memory_space<vmem>>, %arg12: memref<1x128xf32, #tpu.memory_space<vmem>>, %arg13: memref<1x1xf32, #tpu.memory_space<smem>>, %arg14: memref<1x1x512xf32, #tpu.memory_space<vmem>>, %arg15: memref<1x1x512xi32, #tpu.memory_space<vmem>>, %arg16: memref<1x1x128xi32, #tpu.memory_space<vmem>>) attributes {dimension_semantics = [#tpu.dimension_semantics<parallel>, #tpu.dimension_semantics<arbitrary>], iteration_bounds = array<i64: 32, 8>, scalar_prefetch = 0 : i64, scratch_operands = 0 : i64, tpu.core_type = #tpu.core_type<tc>, window_params = [{transform_indices = @transform_0, window_bounds = array<i64: 1, 16, 1024>}, {transform_indices = @transform_1, window_bounds = array<i64: 1, 512, 1024>}, {transform_indices = @transform_2, window_bounds = array<i64: 1, 1, 4096>}, {transform_indices = @transform_3, window_bounds = array<i64: 1, 1, 512>}, {pipeline_mode = #tpu.pipeline_mode<synchronous>, transform_indices = @transform_4, window_bounds = array<i64: 128, 1024>}, {pipeline_mode = #tpu.pipeline_mode<synchronous>, transform_indices = @transform_5, window_bounds = array<i64: 1, 128>}, {pipeline_mode = #tpu.pipeline_mode<synchronous>, transform_indices = @transform_6, window_bounds = array<i64: 128, 1024>}, {pipeline_mode = #tpu.pipeline_mode<synchronous>, transform_indices = @transform_7, window_bounds = array<i64: 1, 128>}, {pipeline_mode = #tpu.pipeline_mode<synchronous>, transform_indices = @transform_8, window_bounds = array<i64: 128, 1024>}, {pipeline_mode = #tpu.pipeline_mode<synchronous>, transform_indices = @transform_9, window_bounds = array<i64: 1, 128>}, {pipeline_mode = #tpu.pipeline_mode<synchronous>, transform_indices = @transform_10, window_bounds = array<i64: 1, 128>}, {transform_indices = @transform_11, window_bounds = array<i64: 1, 1>}, {transform_indices = @transform_12, window_bounds = array<i64: 1, 1, 512>}, {transform_indices = @transform_13, window_bounds = array<i64: 1, 1, 512>}, {transform_indices = @transform_14, window_bounds = array<i64: 1, 1, 128>}]} {
    %get3A = arith.constant 0 : index
    %get3A_0 = arith.constant 0 : index
    %get3A_1 = arith.constant 0 : index
    %get3A_2 = vector.load %arg3[%get3A, %get3A_0, %get3A_1] : memref<1x512x1024xf32, #tpu.memory_space<vmem>>, vector<1x512x1024xf32>
    %get3A_3 = vector.shape_cast %get3A_2 : vector<1x512x1024xf32> to vector<512x1024xf32>
    %get3A_4 = arith.constant 0 : index
    %get3A_5 = arith.constant 0 : index
    %get3A_6 = vector.load %arg8[%get3A_4, %get3A_5] : memref<128x1024xf32, #tpu.memory_space<vmem>>, vector<128x1024xf32>
    %dot_general3A = arith.constant dense<0.000000e+00> : vector<512x128xf32>
    %dot_general3A_7 = tpu.matmul %get3A_3, %get3A_6, %dot_general3A {dimension_numbers = #tpu.dot_dimension_numbers<[1], [1], [0], [0], [0, 0, 1, 0], [], []>, transpose_lhs_hint = false} : vector<512x1024xf32>, vector<128x1024xf32>, vector<512x128xf32> -> vector<512x128xf32>
    %get3A_8 = arith.constant 0 : index
    %get3A_9 = arith.constant 0 : index
    %get3A_10 = vector.load %arg9[%get3A_8, %get3A_9] : memref<1x128xf32, #tpu.memory_space<vmem>>, vector<1x128xf32>
    %add3A = vector.broadcast %get3A_10 : vector<1x128xf32> to vector<512x128xf32>
    %add3A_11 = arith.addf %dot_general3A_7, %add3A : vector<512x128xf32>
    %get3A_12 = arith.constant 0 : index
    %get3A_13 = arith.constant 0 : index
    %get3A_14 = arith.constant 0 : index
    %get3A_15 = vector.load %arg2[%get3A_12, %get3A_13, %get3A_14] : memref<1x16x1024xf32, #tpu.memory_space<vmem>>, vector<1x16x1024xf32>
    %get3A_16 = vector.shape_cast %get3A_15 : vector<1x16x1024xf32> to vector<16x1024xf32>
    %get3A_17 = arith.constant 0 : index
    %get3A_18 = arith.constant 0 : index
    %get3A_19 = vector.load %arg6[%get3A_17, %get3A_18] : memref<128x1024xf32, #tpu.memory_space<vmem>>, vector<128x1024xf32>
    %dot_general3A_20 = arith.constant dense<0.000000e+00> : vector<16x128xf32>
    %dot_general3A_21 = tpu.matmul %get3A_16, %get3A_19, %dot_general3A_20 {dimension_numbers = #tpu.dot_dimension_numbers<[1], [1], [0], [0], [0, 0, 1, 0], [], []>, transpose_lhs_hint = false} : vector<16x1024xf32>, vector<128x1024xf32>, vector<16x128xf32> -> vector<16x128xf32>
    %get3A_22 = arith.constant 0 : index
    %get3A_23 = arith.constant 0 : index
    %get3A_24 = vector.load %arg7[%get3A_22, %get3A_23] : memref<1x128xf32, #tpu.memory_space<vmem>>, vector<1x128xf32>
    %add3A_25 = vector.broadcast %get3A_24 : vector<1x128xf32> to vector<16x128xf32>
    %add3A_26 = arith.addf %dot_general3A_21, %add3A_25 : vector<16x128xf32>
    %mul3A = arith.mulf %add3A_26, %add3A_26 : vector<16x128xf32>
    %reduce_sum3A = arith.constant dense<0.000000e+00> : vector<16xf32>
    %reduce_sum3A_27 = vector.multi_reduction <add>, %mul3A, %reduce_sum3A [1] : vector<16x128xf32> to vector<16xf32>
    %broadcast_in_dim3A = vector.shape_cast %reduce_sum3A_27 : vector<16xf32> to vector<16x1xf32>
    %sqrt3A = math.sqrt %broadcast_in_dim3A : vector<16x1xf32>
    %max3A = arith.constant 9.99999996E-13 : f32
    %max3A_28 = vector.broadcast %max3A : f32 to vector<16x1xf32>
    %max3A_29 = arith.maximumf %sqrt3A, %max3A_28 : vector<16x1xf32>
    %div3A = vector.broadcast %max3A_29 : vector<16x1xf32> to vector<16x128xf32>
    %div3A_30 = arith.divf %add3A_26, %div3A : vector<16x128xf32>
    %reduce_sum3A_31 = arith.constant dense<0.000000e+00> : vector<128xf32>
    %reduce_sum3A_32 = vector.multi_reduction <add>, %div3A_30, %reduce_sum3A_31 [0] : vector<16x128xf32> to vector<128xf32>
    %broadcast_in_dim3A_33 = vector.shape_cast %reduce_sum3A_32 : vector<128xf32> to vector<1x128xf32>
    %div3A_34 = arith.constant 1.600000e+01 : f32
    %div3A_35 = vector.broadcast %div3A_34 : f32 to vector<1x128xf32>
    %div3A_36 = arith.divf %broadcast_in_dim3A_33, %div3A_35 : vector<1x128xf32>
    %mul3A_37 = arith.mulf %div3A_36, %div3A_36 : vector<1x128xf32>
    %reduce_sum3A_38 = arith.constant dense<0.000000e+00> : vector<1xf32>
    %reduce_sum3A_39 = vector.multi_reduction <add>, %mul3A_37, %reduce_sum3A_38 [1] : vector<1x128xf32> to vector<1xf32>
    %broadcast_in_dim3A_40 = vector.shape_cast %reduce_sum3A_39 : vector<1xf32> to vector<1x1xf32>
    %sqrt3A_41 = math.sqrt %broadcast_in_dim3A_40 : vector<1x1xf32>
    %max3A_42 = arith.constant 9.99999996E-13 : f32
    %max3A_43 = vector.broadcast %max3A_42 : f32 to vector<1x1xf32>
    %max3A_44 = arith.maximumf %sqrt3A_41, %max3A_43 : vector<1x1xf32>
    %div3A_45 = vector.broadcast %max3A_44 : vector<1x1xf32> to vector<1x128xf32>
    %div3A_46 = arith.divf %div3A_36, %div3A_45 : vector<1x128xf32>
    %mul3A_47 = arith.mulf %add3A_11, %add3A_11 : vector<512x128xf32>
    %reduce_sum3A_48 = arith.constant dense<0.000000e+00> : vector<512xf32>
    %reduce_sum3A_49 = vector.multi_reduction <add>, %mul3A_47, %reduce_sum3A_48 [1] : vector<512x128xf32> to vector<512xf32>
    %broadcast_in_dim3A_50 = vector.shape_cast %reduce_sum3A_49 : vector<512xf32> to vector<512x1xf32>
    %sqrt3A_51 = math.sqrt %broadcast_in_dim3A_50 : vector<512x1xf32>
    %max3A_52 = arith.constant 9.99999996E-13 : f32
    %max3A_53 = vector.broadcast %max3A_52 : f32 to vector<512x1xf32>
    %max3A_54 = arith.maximumf %sqrt3A_51, %max3A_53 : vector<512x1xf32>
    %div3A_55 = vector.broadcast %max3A_54 : vector<512x1xf32> to vector<512x128xf32>
    %div3A_56 = arith.divf %add3A_11, %div3A_55 : vector<512x128xf32>
    %dot_general3A_57 = arith.constant dense<0.000000e+00> : vector<1x512xf32>
    %dot_general3A_58 = tpu.matmul %div3A_46, %div3A_56, %dot_general3A_57 {dimension_numbers = #tpu.dot_dimension_numbers<[1], [1], [0], [0], [0, 0, 1, 0], [], []>, transpose_lhs_hint = false} : vector<1x128xf32>, vector<512x128xf32>, vector<1x512xf32> -> vector<1x512xf32>
    %get3A_59 = arith.constant 0 : index
    %get3A_60 = arith.constant 0 : index
    %get3A_61 = arith.constant 0 : index
    %get3A_62 = vector.load %arg4[%get3A_59, %get3A_60, %get3A_61] : memref<1x1x4096xf32, #tpu.memory_space<vmem>>, vector<1x1x4096xf32>
    %get3A_63 = vector.shape_cast %get3A_62 : vector<1x1x4096xf32> to vector<1x4096xf32>
    %get3A_64 = arith.constant 0 : index
    %get3A_65 = arith.constant 0 : index
    %get3A_66 = arith.constant 0 : index
    %get3A_67 = vector.load %arg5[%get3A_64, %get3A_65, %get3A_66] : memref<1x1x512xf32, #tpu.memory_space<vmem>>, vector<1x1x512xf32>
    %get3A_68 = vector.shape_cast %get3A_67 : vector<1x1x512xf32> to vector<1x512xf32>
    %gt3A = arith.constant 0.000000e+00 : f32
    %gt3A_69 = vector.broadcast %gt3A : f32 to vector<1x512xf32>
    %gt3A_70 = arith.cmpf ogt, %get3A_68, %gt3A_69 : vector<1x512xf32>
    %jit3A = arith.constant 0xFF800000 : f32
    %broadcast_in_dim3A_71 = vector.broadcast %jit3A : f32 to vector<1x512xf32>
    %select_n3A = arith.select %gt3A_70, %dot_general3A_58, %broadcast_in_dim3A_71 : vector<1x512xi1>, vector<1x512xf32>
    %swap3A = arith.constant 0 : index
    %swap3A_72 = arith.constant 0 : index
    %swap3A_73 = arith.constant 0 : index
    %swap3A_74 = vector.load %arg14[%swap3A, %swap3A_72, %swap3A_73] : memref<1x1x512xf32, #tpu.memory_space<vmem>>, vector<1x1x512xf32>
    %swap3A_75 = vector.shape_cast %swap3A_74 : vector<1x1x512xf32> to vector<1x512xf32>
    %swap3A_76 = vector.shape_cast %select_n3A : vector<1x512xf32> to vector<1x1x512xf32>
    tpu.vector_store %arg14[%swap3A, %swap3A_72, %swap3A_73], %swap3A_76 {strides = array<i32>} : memref<1x1x512xf32, #tpu.memory_space<vmem>>, vector<1x1x512xf32>,
    %bitcast_convert_type3A = tpu.bitcast %select_n3A : vector<1x512xf32> -> vector<1x512xi32>
    %shift_right_logical3A = arith.constant 31 : i32
    %shift_right_logical3A_77 = vector.broadcast %shift_right_logical3A : i32 to vector<1x512xi32>
    %shift_right_logical3A_78 = arith.shrui %bitcast_convert_type3A, %shift_right_logical3A_77 : vector<1x512xi32>
    %eq3A = arith.constant 1 : i32
    %eq3A_79 = vector.broadcast %eq3A : i32 to vector<1x512xi32>
    %eq3A_80 = arith.cmpi eq, %shift_right_logical3A_78, %eq3A_79 : vector<1x512xi32>
    %jit3A_81 = arith.constant -1 : i32
    %jit3A_82 = arith.constant -2147483648 : i32
    %broadcast_in_dim3A_83 = vector.broadcast %jit3A_81 : i32 to vector<1x512xi32>
    %broadcast_in_dim3A_84 = vector.broadcast %jit3A_82 : i32 to vector<1x512xi32>
    %select_n3A_85 = arith.select %eq3A_80, %broadcast_in_dim3A_83, %broadcast_in_dim3A_84 : vector<1x512xi1>, vector<1x512xi32>
    %xor3A = arith.xori %bitcast_convert_type3A, %select_n3A_85 : vector<1x512xi32>
    %swap3A_86 = arith.constant 0 : index
    %swap3A_87 = arith.constant 0 : index
    %swap3A_88 = arith.constant 0 : index
    %swap3A_89 = vector.load %arg15[%swap3A_86, %swap3A_87, %swap3A_88] : memref<1x1x512xi32, #tpu.memory_space<vmem>>, vector<1x1x512xi32>
    %swap3A_90 = vector.shape_cast %swap3A_89 : vector<1x1x512xi32> to vector<1x512xi32>
    %swap3A_91 = vector.shape_cast %xor3A : vector<1x512xi32> to vector<1x1x512xi32>
    tpu.vector_store %arg15[%swap3A_86, %swap3A_87, %swap3A_88], %swap3A_91 {strides = array<i32>} : memref<1x1x512xi32, #tpu.memory_space<vmem>>, vector<1x1x512xi32>,
    %reduce_sum3A_92 = arith.constant dense<0.000000e+00> : vector<1024xf32>
    %reduce_sum3A_93 = vector.multi_reduction <add>, %get3A_16, %reduce_sum3A_92 [0] : vector<16x1024xf32> to vector<1024xf32>
    %broadcast_in_dim3A_94 = vector.shape_cast %reduce_sum3A_93 : vector<1024xf32> to vector<1x1024xf32>
    %div3A_95 = arith.constant 1.600000e+01 : f32
    %div3A_96 = vector.broadcast %div3A_95 : f32 to vector<1x1024xf32>
    %div3A_97 = arith.divf %broadcast_in_dim3A_94, %div3A_96 : vector<1x1024xf32>
    %get3A_98 = arith.constant 0 : index
    %get3A_99 = arith.constant 0 : index
    %get3A_100 = vector.load %arg10[%get3A_98, %get3A_99] : memref<128x1024xf32, #tpu.memory_space<vmem>>, vector<128x1024xf32>
    %dot_general3A_101 = arith.constant dense<0.000000e+00> : vector<1x128xf32>
    %dot_general3A_102 = tpu.matmul %div3A_97, %get3A_100, %dot_general3A_101 {dimension_numbers = #tpu.dot_dimension_numbers<[1], [1], [0], [0], [0, 0, 1, 0], [], []>, transpose_lhs_hint = false} : vector<1x1024xf32>, vector<128x1024xf32>, vector<1x128xf32> -> vector<1x128xf32>
    %get3A_103 = arith.constant 0 : index
    %get3A_104 = arith.constant 0 : index
    %get3A_105 = vector.load %arg11[%get3A_103, %get3A_104] : memref<1x128xf32, #tpu.memory_space<vmem>>, vector<1x128xf32>
    %add3A_106 = arith.addf %dot_general3A_102, %get3A_105 : vector<1x128xf32>
    %max3A_107 = arith.constant 0.000000e+00 : f32
    %max3A_108 = vector.broadcast %max3A_107 : f32 to vector<1x128xf32>
    %max3A_109 = arith.maximumf %add3A_106, %max3A_108 : vector<1x128xf32>
    %get3A_110 = arith.constant 0 : index
    %get3A_111 = arith.constant 0 : index
    %get3A_112 = vector.load %arg12[%get3A_110, %get3A_111] : memref<1x128xf32, #tpu.memory_space<vmem>>, vector<1x128xf32>
    %mul3A_113 = arith.mulf %max3A_109, %get3A_112 : vector<1x128xf32>
    %reduce_sum3A_114 = vector.shape_cast %mul3A_113 : vector<1x128xf32> to vector<1x1x128xf32>
    %reduce_sum3A_115 = arith.constant dense<0.000000e+00> : vector<1xf32>
    %reduce_sum3A_116 = vector.multi_reduction <add>, %reduce_sum3A_114, %reduce_sum3A_115 [1, 2] : vector<1x1x128xf32> to vector<1xf32>
    %reduce_sum3A_117 = vector.shape_cast %reduce_sum3A_116 : vector<1xf32> to vector<1x1x1xf32>
    %reduce_sum3A_118 = vector.extract %reduce_sum3A_117[0, 0, 0] : f32 from vector<1x1x1xf32>
    %get3A_119 = arith.constant 0 : index
    %get3A_120 = arith.constant 0 : index
    %get3A_121 = memref.load %arg13[%get3A_119, %get3A_120] : memref<1x1xf32, #tpu.memory_space<smem>>
    %add3A_122 = arith.addf %reduce_sum3A_118, %get3A_121 : f32
    %neg3A = arith.constant 0.000000e+00 : f32
    %neg3A_123 = arith.subf %neg3A, %add3A_122 : f32
    %exp3A = math.exp %neg3A_123 : f32
    %add3A_124 = arith.constant 1.000000e+00 : f32
    %add3A_125 = arith.addf %add3A_124, %exp3A : f32
    %div3A_126 = arith.constant 1.000000e+00 : f32
    %div3A_127 = arith.divf %div3A_126, %add3A_125 : f32
    %mul3A_128 = arith.constant 5.000000e-01 : f32
    %mul3A_129 = arith.mulf %mul3A_128, %div3A_127 : f32
    %add3A_130 = arith.constant 1.000000e+00 : f32
    %add3A_131 = arith.addf %add3A_130, %mul3A_129 : f32
    %mul3A_132 = arith.constant 5.120000e+02 : f32
    %mul3A_133 = arith.mulf %mul3A_132, %add3A_131 : f32
    %round3A = math.roundeven %mul3A_133 : f32
    %reduce_sum3A_134 = vector.shape_cast %get3A_63 : vector<1x4096xf32> to vector<1x1x4096xf32>
    %reduce_sum3A_135 = arith.constant dense<0.000000e+00> : vector<1xf32>
    %reduce_sum3A_136 = vector.multi_reduction <add>, %reduce_sum3A_134, %reduce_sum3A_135 [1, 2] : vector<1x1x4096xf32> to vector<1xf32>
    %reduce_sum3A_137 = vector.shape_cast %reduce_sum3A_136 : vector<1xf32> to vector<1x1x1xf32>
    %reduce_sum3A_138 = vector.extract %reduce_sum3A_137[0, 0, 0] : f32 from vector<1x1x1xf32>
    %min3A = arith.minimumf %round3A, %reduce_sum3A_138 : f32
    %broadcast_in_dim3A_139 = vector.broadcast %min3A : f32 to vector<1x128xf32>
    %convert_element_type3A = arith.fptosi %broadcast_in_dim3A_139 : vector<1x128xf32> to vector<1x128xi32>
    %swap3A_140 = arith.constant 0 : index
    %swap3A_141 = arith.constant 0 : index
    %swap3A_142 = arith.constant 0 : index
    %swap3A_143 = vector.load %arg16[%swap3A_140, %swap3A_141, %swap3A_142] : memref<1x1x128xi32, #tpu.memory_space<vmem>>, vector<1x1x128xi32>
    %swap3A_144 = vector.shape_cast %swap3A_143 : vector<1x1x128xi32> to vector<1x128xi32>
    %swap3A_145 = vector.shape_cast %convert_element_type3A : vector<1x128xi32> to vector<1x1x128xi32>
    tpu.vector_store %arg16[%swap3A_140, %swap3A_141, %swap3A_142], %swap3A_145 {strides = array<i32>} : memref<1x1x128xi32, #tpu.memory_space<vmem>>, vector<1x1x128xi32>,
    return
  }
  func.func @transform_0(%arg0: i32, %arg1: i32) -> (i32, i32, i32) {
    %c0_i32 = arith.constant 0 : i32
    %c0_i32_0 = arith.constant 0 : i32
    %c0_i32_1 = arith.constant 0 : i32
    return %arg0, %c0_i32, %c0_i32_0 : i32, i32, i32
  }
  func.func @transform_1(%arg0: i32, %arg1: i32) -> (i32, i32, i32) {
    %c0_i32 = arith.constant 0 : i32
    %c0_i32_0 = arith.constant 0 : i32
    return %arg0, %arg1, %c0_i32 : i32, i32, i32
  }
  func.func @transform_2(%arg0: i32, %arg1: i32) -> (i32, i32, i32) {
    %c0_i32 = arith.constant 0 : i32
    %c0_i32_0 = arith.constant 0 : i32
    %c0_i32_1 = arith.constant 0 : i32
    return %arg0, %c0_i32, %c0_i32_0 : i32, i32, i32
  }
  func.func @transform_3(%arg0: i32, %arg1: i32) -> (i32, i32, i32) {
    %c0_i32 = arith.constant 0 : i32
    %c0_i32_0 = arith.constant 0 : i32
    return %arg0, %c0_i32, %arg1 : i32, i32, i32
  }
  func.func @transform_4(%arg0: i32, %arg1: i32) -> (i32, i32) {
    %c0_i32 = arith.constant 0 : i32
    %c0_i32_0 = arith.constant 0 : i32
    %c0_i32_1 = arith.constant 0 : i32
    return %c0_i32, %c0_i32_0 : i32, i32
  }
  func.func @transform_5(%arg0: i32, %arg1: i32) -> (i32, i32) {
    %c0_i32 = arith.constant 0 : i32
    %c0_i32_0 = arith.constant 0 : i32
    %c0_i32_1 = arith.constant 0 : i32
    return %c0_i32, %c0_i32_0 : i32, i32
  }
  func.func @transform_6(%arg0: i32, %arg1: i32) -> (i32, i32) {
    %c0_i32 = arith.constant 0 : i32
    %c0_i32_0 = arith.constant 0 : i32
    %c0_i32_1 = arith.constant 0 : i32
    return %c0_i32, %c0_i32_0 : i32, i32
  }
  func.func @transform_7(%arg0: i32, %arg1: i32) -> (i32, i32) {
    %c0_i32 = arith.constant 0 : i32
    %c0_i32_0 = arith.constant 0 : i32
    %c0_i32_1 = arith.constant 0 : i32
    return %c0_i32, %c0_i32_0 : i32, i32
  }
  func.func @transform_8(%arg0: i32, %arg1: i32) -> (i32, i32) {
    %c0_i32 = arith.constant 0 : i32
    %c0_i32_0 = arith.constant 0 : i32
    %c0_i32_1 = arith.constant 0 : i32
    return %c0_i32, %c0_i32_0 : i32, i32
  }
  func.func @transform_9(%arg0: i32, %arg1: i32) -> (i32, i32) {
    %c0_i32 = arith.constant 0 : i32
    %c0_i32_0 = arith.constant 0 : i32
    %c0_i32_1 = arith.constant 0 : i32
    return %c0_i32, %c0_i32_0 : i32, i32
  }
  func.func @transform_10(%arg0: i32, %arg1: i32) -> (i32, i32) {
    %c0_i32 = arith.constant 0 : i32
    %c0_i32_0 = arith.constant 0 : i32
    %c0_i32_1 = arith.constant 0 : i32
    return %c0_i32, %c0_i32_0 : i32, i32
  }
  func.func @transform_11(%arg0: i32, %arg1: i32) -> (i32, i32) {
    %c0_i32 = arith.constant 0 : i32
    %c0_i32_0 = arith.constant 0 : i32
    %c0_i32_1 = arith.constant 0 : i32
    return %c0_i32, %c0_i32_0 : i32, i32
  }
  func.func @transform_12(%arg0: i32, %arg1: i32) -> (i32, i32, i32) {
    %c0_i32 = arith.constant 0 : i32
    %c0_i32_0 = arith.constant 0 : i32
    return %arg0, %c0_i32, %arg1 : i32, i32, i32
  }
  func.func @transform_13(%arg0: i32, %arg1: i32) -> (i32, i32, i32) {
    %c0_i32 = arith.constant 0 : i32
    %c0_i32_0 = arith.constant 0 : i32
    return %arg0, %c0_i32, %arg1 : i32, i32, i32
  }
  func.func @transform_14(%arg0: i32, %arg1: i32) -> (i32, i32, i32) {
    %c0_i32 = arith.constant 0 : i32
    %c0_i32_0 = arith.constant 0 : i32
    %c0_i32_1 = arith.constant 0 : i32
    return %arg0, %c0_i32, %c0_i32_0 : i32, i32, i32
  }
}

</mosaic_0001>

<sc_bundles>
// kernel: kernel.4.cloned.1.call-start
scs
__scs_entry_jumppad:
0x0: {  	(pc) =	sbr.rel $0x88, $3  }
0x1: {  	(tag) =	ssettag $0x0;
	lr =	simm.s32 $0x1  }
0x2: {  	[smem:$0x3F96] =	sst lr;
	_ =	strace $0xD0000000  }
0x3: {  	_ = 	snop  }
0x4: {  	_ = 	snop  }
0x5: {  	_ = 	snop  }
0x6: {  	_ = 	snop  }
0x7: {  	_ = 	snop  }
__scs_overlays_trampoline_lowered:
0x8: {  	[smem:$0x3FA5] =	sst s0  }
0x9: {  	[smem:$0x3FA6] =	sst s1  }
0xa: {  	[smem:$0x3FA7] =	sst s2  }
0xb: {  	[smem:$0x3FA8] =	sst s3  }
0xc: {  	[smem:$0x3FA9] =	sst s4  }
0xd: {  	[smem:$0x3FAA] =	sst s5  }
0xe: {  	[smem:$0x3FAB] =	sst s6  }
0xf: {  	[smem:$0x3FAC] =	sst s7  }
0x10: {  	[smem:$0x3FAD] =	sst s8  }
0x11: {  	[smem:$0x3FAE] =	sst s9;
	s0 =	simm.s32 @!p0 $0x0  }
0x12: {  	s1 =	sld [smem:$0x3F94];
	s0 =	simm.s32 @p0 $0x1  }
0x13: {  	[smem:$0x3FAF] =	sst s0;
	s0 =	simm.s32 @!p1 $0x0  }
0x14: {  	s2 =	sld [smem:$0x3F93];
	s0 =	simm.s32 @p1 $0x1  }
0x15: {  	[smem:$0x3FB0] =	sst s0;
	s0 =	simm.s32 @!p2 $0x0  }
0x16: {  	s3 =	sld [smem:$0x3FDB];
	s0 =	simm.s32 @p2 $0x1  }
0x17: {  	s4 =	simm.s32 $0x1BF5;
	[smem:$0x3FB2] =	sst s0  }
0x18: {  	s0 =	sld [smem:$0x3F95];
	_ =	swait.ge [sflag:s4], $0x0  }
0x19: {  	s7 =	sld [smem:$0x3F96]  }
0x1a: {  	s8 =	sadd.s32 $0xFFFFE003, lr  }
0x1b: {  	s9 =	sadd.s32 $0xFFFFFEF7, lr;
	s5 =	simm.s32 $0xFFFFFFFF;
	p2 =	slt.u32 s8, $0xFFFFF086  }
0x1c: {  	p1 =	slt.u32 s9, $0xF7A;
	s5 =	simm.s32 @!p2 $0x0  }
0x1d: {  	s5 =	simm.s32 @p1 $0x1;
	p0 =	seq.s32 s7, s2  }
0x1e: {  	s7 =	smul.u32 @!p0 $0xF7A, s2;
	p2 =	seq.s32 @!p0 s5, $0x0  }
0x1f: {  	s9 =	smul.u32 $0xF7A, s1;
	s8 =	simm.s32 @!p0 $0x1BF5;
	p2 =	por !p2, p0  }
0x20: {  	[sflag:s8] =	ssyncset.s32 @!p0 $0xFFFFF086;
	s6 =	sadd.s32 @!p0 s3, s7;
	s7 =	simm.s32 @!p0 $0x108  }
0x21: {  	s3 =	sadd.s32 s3, s9;
	s6 =	sadd.s32 @!p0 $0x88, s6;
	s7 =	simm.s32 @p2 $0x1082  }
0x22: {  	[simem:s7], [sflag:s8] =	dma.local @!p0 [hbm:s6], $0xF7A  }
0x23: {  	s9 =	sor.u32 $0xD0000000, s2;
	s6 =	simm.s32 $0x108;
	_ =	swait.ge @!p0 [sflag:s8], $0x0  }
0x24: {  	s3 =	sadd.s32 $0x88, s3;
	s6 =	simm.s32 @!p1 $0x1082;
	[sflag:s4] =	ssyncset.s32 $0xFFFFF086  }
0x25: {  	[simem:s6], [sflag:s4] =	dma.local [hbm:s3], $0xF7A  }
0x26: {  	[smem:$0x3F96] =	sst s1;
	(tag) =	ssettag s2;
	_ =	strace s9  }
0x27: {  	s1 =	sld [smem:$0x3FA6]  }
0x28: {  	s2 =	sld [smem:$0x3FA7]  }
0x29: {  	s4 =	sld [smem:$0x3FA9]  }
0x2a: {  	p0 =	seq.s32 s5, $0x0;
	s5 =	sld [smem:$0x3FAA]  }
0x2b: {  	s6 =	sld [smem:$0x3FAB]  }
0x2c: {  	s7 =	sld [smem:$0x3FAC]  }
0x2d: {  	s3 =	simm.s32 $0x108;
	s8 =	sld [smem:$0x3FAD]  }
0x2e: {  	s3 =	simm.s32 @!p0 $0x1082;
	s9 =	sld [smem:$0x3FAE]  }
0x2f: {  	lr =	sadd.s32 s0, s3;
	s0 =	sld [smem:$0x3FA5]  }
0x30: {  	s3 =	sld [smem:$0x3FA8]  }
0x31: {  	[smem:$0x3FB1] =	sst s10  }
0x32: {  	s10 =	sld [smem:$0x3FAF];
	_ =	sdelay $0x3  }
0x33: {  	p0 =	seq.s32 s10, $0x1;
	s10 =	sld [smem:$0x3FB1];
	_ =	sdelay $0x3  }
0x34: {  	[smem:$0x3FB1] =	sst s10  }
0x35: {  	s10 =	sld [smem:$0x3FB0];
	_ =	sdelay $0x3  }
0x36: {  	p1 =	seq.s32 s10, $0x1;
	s10 =	sld [smem:$0x3FB1];
	_ =	sdelay $0x3  }
0x37: {  	[smem:$0x3FB1] =	sst s10  }
0x38: {  	s10 =	sld [smem:$0x3FB2]  }
0x39: {  	_ = 	snop;
	(pc) =	sbr.ind lr, $3  }
0x3a: {  	_ = 	snop  }
0x3b: {  	_ = 	snop  }
0x3c: {  	p2 =	seq.s32 s10, $0x1;
	s10 =	sld [smem:$0x3FB1]  }
0x3d: {  	_ =	shalt  }
0x3e: {  	_ =	shalt  }
0x3f: {  	_ =	shalt  }
0x40: {  	_ =	shalt  }
0x41: {  	_ =	shalt  }
0x42: {  	_ =	shalt  }
0x43: {  	_ =	shalt  }
0x44: {  	_ =	shalt  }
0x45: {  	_ =	shalt  }
0x46: {  	_ =	shalt  }
0x47: {  	_ =	shalt  }
0x48: {  	_ =	shalt  }
0x49: {  	_ =	shalt  }
0x4a: {  	_ =	shalt  }
0x4b: {  	_ =	shalt  }
0x4c: {  	_ =	shalt  }
0x4d: {  	_ =	shalt  }
0x4e: {  	_ =	shalt  }
0x4f: {  	_ =	shalt  }
0x50: {  	_ =	shalt  }
0x51: {  	_ =	shalt  }
0x52: {  	_ =	shalt  }
0x53: {  	_ =	shalt  }
0x54: {  	_ =	shalt  }
0x55: {  	_ =	shalt  }
0x56: {  	_ =	shalt  }
0x57: {  	_ =	shalt  }
0x58: {  	_ =	shalt  }
0x59: {  	_ =	shalt  }
0x5a: {  	_ =	shalt  }
0x5b: {  	_ =	shalt  }
0x5c: {  	_ =	shalt  }
0x5d: {  	_ =	shalt  }
0x5e: {  	_ =	shalt  }
0x5f: {  	_ =	shalt  }
0x60: {  	_ =	shalt  }
0x61: {  	_ =	shalt  }
0x62: {  	_ =	shalt  }
0x63: {  	_ =	shalt  }
0x64: {  	_ =	shalt  }
0x65: {  	_ =	shalt  }
0x66: {  	_ =	shalt  }
0x67: {  	_ =	shalt  }
0x68: {  	_ =	shalt  }
0x69: {  	_ =	shalt  }
0x6a: {  	_ =	shalt  }
0x6b: {  	_ =	shalt  }
0x6c: {  	_ =	shalt  }
0x6d: {  	_ =	shalt  }
0x6e: {  	_ =	shalt  }
0x6f: {  	_ =	shalt  }
0x70: {  	_ =	shalt  }
0x71: {  	_ =	shalt  }
0x72: {  	_ =	shalt  }
0x73: {  	_ =	shalt  }
0x74: {  	_ =	shalt  }
0x75: {  	_ =	shalt  }
0x76: {  	_ =	shalt  }
0x77: {  	_ =	shalt  }
0x78: {  	_ =	shalt  }
0x79: {  	_ =	shalt  }
0x7a: {  	_ =	shalt  }
0x7b: {  	_ =	shalt  }
0x7c: {  	_ =	shalt  }
0x7d: {  	_ =	shalt  }
0x7e: {  	_ =	shalt  }
0x7f: {  	_ =	shalt  }
0x80: {  	_ =	shalt  }
0x81: {  	_ =	shalt  }
0x82: {  	_ =	shalt  }
0x83: {  	_ =	shalt  }
0x84: {  	_ =	shalt  }
0x85: {  	_ =	shalt  }
0x86: {  	_ =	shalt  }
0x87: {  	_ =	shalt  }
.Lfunc_end0:
.L_simem_size_0:
called_computation_lowered:
.L_overlay_start_0:
0x88: {  	s2 =	sld [smem:$0x3FD9]  }
0x89: {  	s3 =	sld [smem:$0x3FFE];
	_ =	sdelay $0x1  }
0x8a: {  	s1 =	srdreg.scid  }
0x8b: {  	s0 =	sand.u32 $0x1, s1  }
0x8c: {  	s14 =	sshll.u32 s0, $0xA;
	s2 =	sadd.s32 s3, s2  }
0x8d: {  	s2 =	sadd.s32 s2, s14  }
0x8e: {  	[smem:$0x3FBD] =	sst s2  }
0x8f: {  	_ = 	snop  }
0x90: {  	s2 =	sld [smem:$0x3FD0];
	_ =	sdelay $0x2  }
0x91: {  	s15 =	simm.s32 $0xA;
	s4 =	simm.s32 $0x10  }
0x92: {  	[smem:s4], [sflag:s15] =	dma.local [hbm:s2], $0x1  }
0x93: {  	_ =	swait.eq [sflag:s15], $0x1  }
0x94: {  	[sflag:s15] =	ssyncset.done $0x0  }
0x95: {  	[sflag:s15] =	ssyncadd.s32 $0xFFFFFFFF  }
0x96: {  	s16 =	sld [smem:$0x10];
	(tm) =	ssettm $0x1  }
0x97: {  	s17 =	sld [smem:$0x3FFB];
	_ =	sdelay $0x3  }
0x98: {  	_ =	strace s17  }
0x99: {  	s3 =	sld [smem:$0x3FFC];
	_ =	sdelay $0x3  }
0x9a: {  	_ =	strace s3  }
0x9b: {  	s3 =	sld [smem:$0x3FFD];
	_ =	sdelay $0x3  }
0x9c: {  	_ =	strace s3  }
0x9d: {  	_ =	strace $0x8FFFFFFF  }
0x9e: {  	s18 =	sld [smem:$0x3FDB];
	_ =	sdelay $0x1  }
0x9f: {  	s19 =	simm.s32 $_scs_section_size  }
0xa0: {  	s5 =	simm.s32 $_size__tile_overlayer_lowered;
	s6 =	simm.s32 $_tile_overlayer_lowered  }
0xa1: {  	s22 =	simm.s32 $0x1BFF;
	s21 =	sshll.u32 s6, $0x1;
	s3 =	sadd.s32 s19, s18  }
0xa2: {  	s7 =	simm.s32 $0x0;
	s20 =	sshll.u32 s5, $0x1;
	s5 =	sadd.s32 s21, s3  }
0xa3: {  	[timem:s7], [sflag:s22] =	dma.local [hbm:s5], s20  }
0xa4: {  	_ =	swait.ge [sflag:s22], s20  }
0xa5: {  	s4 =	ssub.s32 $0x0, s20;
	[sflag:s22] =	ssyncset.done $0x0  }
0xa6: {  	[sflag:s22] =	ssyncadd.s32 s4;
	_ =	sdelay $0x1  }
0xa7: {  	s23 =	simm.s32 $0x1B8B  }
0xa8: {  	_ =	swait.ge [sflag:s23], $0x1  }
0xa9: {  	[sflag:s23] =	ssyncset.done $0x0  }
0xaa: {  	s25 =	simm.s32 $0x1B8E;
	s24 =	sld [smem:$0x3FFE];
	[sflag:s23] =	ssyncadd.s32 $0xFFFFFFFF  }
0xab: {  	s26 =	simm.s32 $execute0_lowered;
	[smem:$0x3FD2] =	sst s25  }
0xac: {  	s5 =	sshll.u32 s26, $0x1;
	_ =	strace $0x80000046;
	[dreg:$0x1] =	wrdreg $0xFFFFFFFF  }
0xad: {  	s28 =	simm.s32 $_size_execute0_lowered;
	s3 =	sadd.s32 s3, s5;
	[dreg:$0x0] =	wrdreg $0x0  }
0xae: {  	s5 =	sshll.u32 s28, $0x1;
	[dreg:$0x2] =	wrdreg s3  }
0xaf: {  	[dreg:$0x3] =	wrdreg s5  }
0xb0: {  	[dreg:$0x4] =	wrdreg $0xC0  }
0xb1: {  	_ =	task [dreg:s7], $0x5FFFF  }
0xb2: {  	[dreg:$0x1] =	wrdreg $0xFFFFFFFF  }
0xb3: {  	[dreg:$0x0] =	wrdreg $0x60  }
0xb4: {  	[dreg:$0x2] =	wrdreg s24  }
0xb5: {  	[dreg:$0x3] =	wrdreg s16  }
0xb6: {  	[dreg:$0x4] =	wrdreg $0x9  }
0xb7: {  	_ =	task.clear_ibuf [dreg:s7], $0x5FFFF;
	_ =	strace $0x90000046  }
0xb8: {  	s29 =	simm.s32 $0x9;
	_ =	strace $0x80000048  }
0xb9: {  	_ =	swait.ge [sflag:s29], $0x1  }
0xba: {  	[sflag:s29] =	ssyncadd.s32 $0xFFFFFFFF  }
0xbb: {  	_ =	strace $0x90000048  }
0xbc: {  	_ =	sfence  }
0xbd: {  	s30 =	sld [smem:$0x0];
	_ =	sdelay $0x2  }
0xbe: {  	s31 =	sshll.u32 s1, $0xD;
	s1 =	sshrl.u32 s1, $0x2  }
0xbf: {  	s3 =	sand.u32 $0x4000, s31;
	s1 =	sadd.s32 s1, s30  }
0xc0: {  	s0 =	sor.u32 s3, s0;
	s1 =	sshll.u32 s1, $0x11  }
0xc1: {  	s0 =	sor.u32 s1, s0  }
0xc2: {  	s0 =	sadd.s32 $0x8F2B, s0  }
0xc3: {  	[sflag:s0] =	ssyncadd.remote.s32 $0x1  }
0xc4: {  	_ =	sfence.sel $0xFFFF  }
0xc5: {  	[dreg:$0x0] =	wrdreg $0xFFFFFFFF;
	(pc) =	sbr.abs _section_cstart, $3  }
0xc6: {  	[dreg:$0x1] =	wrdreg $0xFFFFFFFF  }
0xc7: {  	_ =	task.clear_ibuf [dreg:s7], $0x2FFFF;
	_ =	strace $0x9FFFFFFF  }
0xc8: {  	(tm) =	ssettm $0x7FFFFFFF  }
0xc9: {  	_ =	shalt  }
tec
execute0_lowered:
.L_overlay_start_1:
0x0: {  	(tag) =	ssettag $0x1  }
0x1: {  	s3 =	rddreg [dreg:$0x0]  }
0x2: {  	s5 =	rddreg [dreg:$0x1]  }
0x3: {  	s0 =	rddreg [dreg:$0x2]  }
0x4: {  	s2 =	simm.s32 $0x0;
	s4 =	srdreg.scid;
	s1 =	stileid.u32  }
0x5: {  	s10 =	simm.s32 $0x2000;
	s11 =	simm.s32 $0x80000000;
	s12 =	simm.s32 $0x1000  }
0x6: {  	s13 =	simm.s32 $0x0;
	[smem:$0x7FF] =	sst s2;
	s4 =	sand.u32 $0x1, s4  }
0x7: {  	s6 =	sshll.u32 s1, $0x8;
	s7 =	sshrl.u32 s1, $0x2;
	s8 =	sshll.u32 s4, $0x7  }
0x8: {  	s6 =	sand.u32 $0x300, s6;
	s9 =	sshll.u32 s7, $0xF;
	s7 =	sshll.u32 s7, $0xA  }
0x9: {  	_ =	strace $0x80000047;
	s4 =	ssub.s32 $0x2, s4;
	s6 =	sor.u32 s8, s6  }
0xa: {  	s30 =	sshrl.u32 s4, $0x1;
	s8 =	sor.u32 s9, s6;
	s6 =	sor.u32 s7, s6  }
0xb: {  	s31 =	ssub.s32 s4, s30;
	s7 =	simm.s32 $0x80;
	s29 =	sshrl.u32 s8, $0x3  }
0xc: {  	s9 =	simm.s32 $0x1;
	s6 =	sshrl.u32 s6, $0x3;
	s8 =	sadd.s32 s29, s3  }
0xd: {  	s6 =	sadd.s32 s6, s3;
	s5 =	sadd.s32 s5, s29;
	s3 =	sadd.s32 $0x1A00, s8  }
0xe: {  	v0 =	vimm.s32 $0x0;
	v1 =	vimm.f32 $0.0e+00;
	s4 =	sadd.s32 $0x1800, s6;
	s6 =	smax.u32 s31, $0x1;
	s8 =	simm.s32 $0x400  }
.LBB2_1:
0xf: {  	[tilespmem:s2], [sflag:$0x1] =	stream.strided.gather [hbm4b:s3+s7], $0x1000, s8, s7, $0x38;
	[tilespmem:$0x2080] =	vst v63  }
0x10: {  	_ =	swait.ge [sflag:s9], $0x1000  }
0x11: {  	[sflag:s9] =	ssyncset.done $0x0  }
0x12: {  	[sflag:s9] =	ssyncadd.s32 $0xFFFFF000  }
0x13: {  	[tilespmem:s10], [sflag:$0x1] =	stream.linear.gather [hbm4b:s4+s2], $0x80, $0x38;
	[tilespmem:$0x2080] =	vst v63  }
0x14: {  	_ =	swait.ge [sflag:s9], $0x80  }
0x15: {  	[sflag:s9] =	ssyncset.done $0x0  }
0x16: {  	[sflag:s9] =	ssyncadd.s32 $0xFFFFFF80  }
0x17: {  	v2 =	vld [tilespmem:$0x2000];
	_ =	sdelay $0x4  }
0x18: {  	(xrf0) =	vadd.scan.msk.s32 $0xffff, v2;
	_ =	sdelay $0x5  }
0x19: {  	v2, _, _ =	vpop (xrf0)  }
0x1a: {  	(v2sf) =	vpush v2, $0xF;
	_ =	sdelay $0xe  }
0x1b: {  	s14 =	spop (v2sf)  }
0x1c: {  	s17 =	simm.s32 $0x0;
	s16 =	sshra.s32 s14, $0x4;
	s14 =	simm.s32 $0x0  }
.LBB2_2:
0x1d: {  	s20 =	simm.s32 $0x0  }
0x1e: {  	v3 =	vld [tilespmem:s20+$0x0]  }
0x1f: {  	v5 =	vld [tilespmem:s20+$0x10]  }
0x20: {  	s15 =	sshrl.u32 s11, s14;
	v7 =	vld [tilespmem:s20+$0x20]  }
0x21: {  	s15 =	sor.u32 s15, s17;
	v6 =	vld [tilespmem:s20+$0x30]  }
0x22: {  	v4 =	vld [tilespmem:s20+$0x40];
	v2 =	vmov s15  }
0x23: {  	vm0 =	vge.u32 v3, v2;
	v3 =	vld [tilespmem:s20+$0x50]  }
0x24: {  	v8 =	vimm.s32 $0x0;
	v9 =	vsel vm0, $0x1, v0;
	vm0 =	vge.u32 v5, v2;
	v5 =	vld [tilespmem:s20+$0x60]  }
0x25: {  	s18 =	simm.s32 $0x80;
	s19 =	simm.s32 $0x400;
	v8 =	vadd.s32 v9, v8;
	v9 =	vsel vm0, $0x1, v0;
	vm0 =	vge.u32 v7, v2;
	v7 =	vld [tilespmem:s20+$0x70]  }
.LBB2_3:
0x26: {  	p0 =	sne.s32 s19, $0x3E00;
	v10 =	vld [tilespmem:s18+$0x0];
	v8 =	vadd.s32 v9, v8;
	v9 =	vsel vm0, $0x1, v0;
	vm0 =	vge.u32 v6, v2  }
0x27: {  	v11 =	vld [tilespmem:s18+$0x10];
	v6 =	vadd.s32 v9, v8;
	v8 =	vsel vm0, $0x1, v0;
	vm0 =	vge.u32 v4, v2  }
0x28: {  	v12 =	vld [tilespmem:s18+$0x20];
	v4 =	vadd.s32 v8, v6;
	v8 =	vsel vm0, $0x1, v0;
	vm0 =	vge.u32 v3, v2  }
.Ltmp0:
0x29: {  	v6 =	vld [tilespmem:s18+$0x30];
	v3 =	vadd.s32 v8, v4;
	v8 =	vsel vm0, $0x1, v0;
	vm0 =	vge.u32 v5, v2;
	(pc) =	sbr.rel @p0 .LBB2_3-.Ltmp0, $4  }
0x2a: {  	v4 =	vld [tilespmem:s18+$0x40];
	v5 =	vadd.s32 v8, v3;
	v8 =	vsel vm0, $0x1, v0;
	vm0 =	vge.u32 v7, v2  }
0x2b: {  	vm1 =	vge.u32 v10, v2;
	v3 =	vld [tilespmem:s18+$0x50];
	v7 =	vadd.s32 v8, v5;
	v8 =	vsel vm0, $0x1, v0  }
0x2c: {  	v9 =	vsel vm1, $0x1, v0;
	vm0 =	vge.u32 v11, v2;
	v5 =	vld [tilespmem:s18+$0x60];
	v7 =	vadd.s32 v8, v7  }
0x2d: {  	v8 =	vadd.s32 v9, v7;
	v9 =	vsel vm0, $0x1, v0;
	vm0 =	vge.u32 v12, v2;
	v7 =	vld [tilespmem:s18+$0x70];
	s18 =	sshra.s32 s19, $0x2;
	s19 =	sadd.s32 $0x200, s19  }
0x2e: {  	v10 =	vld [tilespmem:s18+$0x0];
	v8 =	vadd.s32 v9, v8;
	v47 =	vsel vm0, $0x1, v0;
	vm4 =	vge.u32 v6, v2  }
0x2f: {  	v48 =	vld [tilespmem:s18+$0x10];
	v8 =	vadd.s32 v47, v8;
	v49 =	vsel vm4, $0x1, v0;
	vm5 =	vge.u32 v4, v2  }
0x30: {  	v50 =	vld [tilespmem:s18+$0x20];
	v8 =	vadd.s32 v49, v8;
	v51 =	vsel vm5, $0x1, v0;
	vm6 =	vge.u32 v3, v2  }
0x31: {  	v3 =	vld [tilespmem:s18+$0x30];
	v8 =	vadd.s32 v51, v8;
	v52 =	vsel vm6, $0x1, v0;
	vm7 =	vge.u32 v5, v2  }
0x32: {  	v53 =	vld [tilespmem:s18+$0x40];
	v8 =	vadd.s32 v52, v8;
	v54 =	vsel vm7, $0x1, v0;
	vm8 =	vge.u32 v7, v2  }
0x33: {  	v55 =	vld [tilespmem:s18+$0x50];
	vm1 =	vge.u32 v10, v2;
	v8 =	vadd.s32 v54, v8;
	v56 =	vsel vm8, $0x1, v0  }
0x34: {  	v57 =	vld [tilespmem:s18+$0x60];
	vm9 =	vge.u32 v48, v2;
	v10 =	vsel vm1, $0x1, v0;
	v8 =	vadd.s32 v56, v8  }
0x35: {  	v59 =	vld [tilespmem:s18+$0x70];
	vm10 =	vge.u32 v50, v2;
	v58 =	vsel vm9, $0x1, v0;
	v8 =	vadd.s32 v10, v8  }
0x36: {  	v60 =	vsel vm10, $0x1, v0;
	vm11 =	vge.u32 v3, v2;
	v8 =	vadd.s32 v58, v8  }
0x37: {  	vm12 =	vge.u32 v53, v2;
	v61 =	vsel vm11, $0x1, v0;
	v3 =	vadd.s32 v60, v8  }
0x38: {  	vm13 =	vge.u32 v55, v2;
	v5 =	vsel vm12, $0x1, v0;
	v3 =	vadd.s32 v61, v3  }
0x39: {  	vm14 =	vge.u32 v57, v2;
	v62 =	vsel vm13, $0x1, v0;
	v3 =	vadd.s32 v5, v3  }
0x3a: {  	vm15 =	vge.u32 v59, v2;
	v63 =	vsel vm14, $0x1, v0;
	v3 =	vadd.s32 v62, v3  }
0x3b: {  	v2 =	vadd.s32 v63, v3;
	v3 =	vsel vm15, $0x1, v0  }
0x3c: {  	v2 =	vadd.s32 v3, v2  }
0x3d: {  	(xrf0) =	vadd.scan.msk.s32 $0xffff, v2;
	_ =	sdelay $0x5  }
0x3e: {  	v2, _, _ =	vpop (xrf0)  }
0x3f: {  	(v2sf) =	vpush v2, $0xF;
	_ =	sdelay $0xe  }
0x40: {  	s31 =	spop (v2sf)  }
0x41: {  	s14 =	sadd.s32 $0x1, s14;
	p0 =	slt.s32 s31, s16  }
0x42: {  	s15 =	smov.u32 @p0 s17;
	p0 =	sne.s32 s14, $0x20  }
.Ltmp1:
0x43: {  	_ = 	snop;
	(pc) =	sbr.rel @p0 .LBB2_2-.Ltmp1, $2  }
0x44: {  	_ =	sdelay $0x2  }
0x45: {  	s17 =	smov.u32 s15  }
0x46: {  	s17 =	simm.s32 $0x0  }
0x47: {  	v3 =	vld [tilespmem:s17+$0x0]  }
0x48: {  	v5 =	vld [tilespmem:s17+$0x10]  }
0x49: {  	v7 =	vld [tilespmem:s17+$0x20]  }
0x4a: {  	v6 =	vld [tilespmem:s17+$0x30]  }
0x4b: {  	v2 =	vmov s15;
	v4 =	vld [tilespmem:s17+$0x40]  }
0x4c: {  	vm0 =	vgt.u32 v3, v2;
	v3 =	vld [tilespmem:s17+$0x50]  }
0x4d: {  	v8 =	vimm.s32 $0x0;
	v9 =	vsel vm0, $0x1, v0;
	vm0 =	vgt.u32 v5, v2;
	v5 =	vld [tilespmem:s17+$0x60]  }
0x4e: {  	s14 =	simm.s32 $0x80;
	s15 =	simm.s32 $0x400;
	v8 =	vadd.s32 v9, v8;
	v9 =	vsel vm0, $0x1, v0;
	vm0 =	vgt.u32 v7, v2;
	v7 =	vld [tilespmem:s17+$0x70]  }
.LBB2_6:
0x4f: {  	p0 =	sne.s32 s15, $0x3E00;
	v10 =	vld [tilespmem:s14+$0x0];
	v8 =	vadd.s32 v9, v8;
	v9 =	vsel vm0, $0x1, v0;
	vm0 =	vgt.u32 v6, v2  }
0x50: {  	v11 =	vld [tilespmem:s14+$0x10];
	v6 =	vadd.s32 v9, v8;
	v8 =	vsel vm0, $0x1, v0;
	vm0 =	vgt.u32 v4, v2  }
0x51: {  	v12 =	vld [tilespmem:s14+$0x20];
	v4 =	vadd.s32 v8, v6;
	v8 =	vsel vm0, $0x1, v0;
	vm0 =	vgt.u32 v3, v2  }
.Ltmp2:
0x52: {  	v6 =	vld [tilespmem:s14+$0x30];
	v3 =	vadd.s32 v8, v4;
	v8 =	vsel vm0, $0x1, v0;
	vm0 =	vgt.u32 v5, v2;
	(pc) =	sbr.rel @p0 .LBB2_6-.Ltmp2, $4  }
0x53: {  	v4 =	vld [tilespmem:s14+$0x40];
	v5 =	vadd.s32 v8, v3;
	v8 =	vsel vm0, $0x1, v0;
	vm0 =	vgt.u32 v7, v2  }
0x54: {  	vm1 =	vgt.u32 v10, v2;
	v3 =	vld [tilespmem:s14+$0x50];
	v7 =	vadd.s32 v8, v5;
	v8 =	vsel vm0, $0x1, v0  }
0x55: {  	v9 =	vsel vm1, $0x1, v0;
	vm0 =	vgt.u32 v11, v2;
	v5 =	vld [tilespmem:s14+$0x60];
	v7 =	vadd.s32 v8, v7  }
0x56: {  	v8 =	vadd.s32 v9, v7;
	v9 =	vsel vm0, $0x1, v0;
	vm0 =	vgt.u32 v12, v2;
	v7 =	vld [tilespmem:s14+$0x70];
	s14 =	sshra.s32 s15, $0x2;
	s15 =	sadd.s32 $0x200, s15  }
0x57: {  	v10 =	vld [tilespmem:s14+$0x0];
	v8 =	vadd.s32 v9, v8;
	v9 =	vsel vm0, $0x1, v0;
	vm0 =	vgt.u32 v6, v2  }
0x58: {  	v6 =	vld [tilespmem:s14+$0x10];
	v8 =	vadd.s32 v9, v8;
	v9 =	vsel vm0, $0x1, v0;
	vm0 =	vgt.u32 v4, v2  }
0x59: {  	v4 =	vld [tilespmem:s14+$0x20];
	v8 =	vadd.s32 v9, v8;
	v9 =	vsel vm0, $0x1, v0;
	vm0 =	vgt.u32 v3, v2  }
0x5a: {  	v3 =	vld [tilespmem:s14+$0x30];
	v8 =	vadd.s32 v9, v8;
	v9 =	vsel vm0, $0x1, v0;
	vm0 =	vgt.u32 v5, v2  }
0x5b: {  	v5 =	vld [tilespmem:s14+$0x40];
	v8 =	vadd.s32 v9, v8;
	v9 =	vsel vm0, $0x1, v0;
	vm0 =	vgt.u32 v7, v2  }
0x5c: {  	v7 =	vld [tilespmem:s14+$0x50];
	vm1 =	vgt.u32 v10, v2;
	v8 =	vadd.s32 v9, v8;
	v9 =	vsel vm0, $0x1, v0  }
0x5d: {  	vm0 =	vgt.u32 v6, v2;
	v6 =	vld [tilespmem:s14+$0x60];
	v10 =	vsel vm1, $0x1, v0;
	v8 =	vadd.s32 v9, v8  }
0x5e: {  	v9 =	vsel vm0, $0x1, v0;
	vm0 =	vgt.u32 v4, v2;
	v4 =	vld [tilespmem:s14+$0x70];
	s14 =	simm.s32 $0x0;
	v8 =	vadd.s32 v10, v8  }
0x5f: {  	v11 =	vld [tilespmem:s14+$0x20];
	v8 =	vadd.s32 v9, v8;
	v9 =	vsel vm0, $0x1, v0;
	vm0 =	vgt.u32 v3, v2  }
0x60: {  	v3 =	vadd.s32 v9, v8;
	v8 =	vsel vm0, $0x1, v0;
	vm0 =	vgt.u32 v5, v2;
	v5 =	vld [tilespmem:s14+$0x30]  }
0x61: {  	v10 =	vld [tilespmem:s14+$0x40];
	v3 =	vadd.s32 v8, v3;
	v8 =	vsel vm0, $0x1, v0;
	vm0 =	vgt.u32 v7, v2  }
0x62: {  	v18 =	vld [tilespmem:s14+$0x10];
	v3 =	vadd.s32 v8, v3;
	v7 =	vsel vm0, $0x1, v0;
	vm0 =	vgt.u32 v6, v2  }
0x63: {  	v8 =	vld [tilespmem:s14+$0x0];
	v3 =	vadd.s32 v7, v3;
	v6 =	vsel vm0, $0x1, v0;
	vm0 =	vgt.u32 v4, v2  }
0x64: {  	v3 =	vadd.s32 v6, v3;
	v4 =	vsel vm0, $0x1, v0  }
0x65: {  	v17 =	vld [tilespmem:s14+$0x60];
	v3 =	vadd.s32 v4, v3;
	vm4 =	veq.s32 v5, v2  }
0x66: {  	vm5 =	veq.s32 v11, v2;
	(xrf0) =	vadd.scan.msk.s32 $0xffff, v3;
	v3 =	vsel vm4, $0x1, v0  }
0x67: {  	vm0 =	veq.s32 v10, v2;
	v4 =	vsel vm5, $0x1, v0;
	(xrf0) =	vadd.scan.msk.s32 $0xffff, v3  }
0x68: {  	vm1 =	veq.s32 v18, v2;
	v3 =	vsel vm0, $0x1, v0;
	vm2 =	veq.s32 v8, v2;
	(xrf0) =	vadd.scan.msk.s32 $0xffff, v4  }
0x69: {  	v4 =	vsel vm1, $0x1, v0;
	(xrf0) =	vadd.scan.msk.s32 $0xffff, v3;
	v3 =	vsel vm2, $0x1, v0  }
0x6a: {  	vm10 =	veq.s32 v17, v2;
	(xrf0) =	vadd.scan.msk.s32 $0xffff, v4  }
0x6b: {  	v19 =	vld [tilespmem:s14+$0x50];
	v4 =	vsel vm10, $0x1, v0;
	(xrf0) =	vadd.scan.msk.s32 $0xffff, v3  }
0x6c: {  	v3, _, _ =	vpop (xrf0);
	(xrf0) =	vadd.scan.msk.s32 $0xffff, v4  }
0x6d: {  	v20, _, _ =	vpop (xrf0)  }
0x6e: {  	(v2sf) =	vpush v3, $0xF;
	v12, _, _ =	vpop (xrf0)  }
0x6f: {  	(v2sf) =	vpush v20, $0xF;
	v13, _, _ =	vpop (xrf0)  }
0x70: {  	vm6 =	veq.s32 v19, v2;
	(v2sf) =	vpush v13, $0xF;
	v14, _, _ =	vpop (xrf0)  }
0x71: {  	v3 =	vsel vm6, $0x1, v0;
	v6, _, _ =	vpop (xrf0);
	(v2sf) =	vpush v14, $0xF  }
0x72: {  	(xrf0) =	vadd.scan.msk.s32 $0xffff, v3;
	(v2sf) =	vpush v12, $0xF;
	v15, _, _ =	vpop (xrf0)  }
0x73: {  	(v2sf) =	vpush v15, $0xF  }
0x74: {  	(v2sf) =	vpush v6, $0xF;
	_ =	sdelay $0x1  }
0x75: {  	v16 =	vld [tilespmem:s14+$0x70];
	_ =	sdelay $0x1  }
0x76: {  	s15 =	simm.s32 $0x80;
	v21, _, _ =	vpop (xrf0)  }
0x77: {  	v9 =	vld [tilespmem:s15+$0x0];
	(v2sf) =	vpush v21, $0xF;
	_ =	sdelay $0x1  }
0x78: {  	vm3 =	veq.s32 v16, v2;
	v7 =	vld [tilespmem:s15+$0x20]  }
0x79: {  	v3 =	vsel vm3, $0x1, v0  }
0x7a: {  	v61 =	vimm.s32 $0x0;
	(xrf0) =	vadd.scan.msk.s32 $0xffff, v3;
	s17 =	spop (v2sf)  }
0x7b: {  	v22 =	vld [tilespmem:s15+$0x30];
	vm11 =	vmmov vm5;
	vm7 =	vgt.u32 v5, v2;
	vm9 =	veq.s32 v9, v2;
	s25 =	spop (v2sf)  }
0x7c: {  	s26 =	simm.s32 $0x0;
	vm4 =	vmmov vm4;
	v60 =	vsel vm9, $0x1, v0;
	vm1 =	vmmov vm1;
	s16 =	ssub.s32 s16, s17;
	s18 =	spop (v2sf)  }
0x7d: {  	vm15 =	veq.s32 v7, v2;
	v5 =	vadd.s32 s26, v6;
	v6 =	vld [tilespmem:s15+$0x40];
	v4 =	vmov s16;
	s28 =	spop (v2sf)  }
0x7e: {  	v26 =	vsel vm15, $0x1, v0;
	v3 =	vimm.s32 $0x0;
	vm5 =	vle.s32 v5, v4;
	v5 =	vld [tilespmem:s15+$0x10];
	s19 =	spop (v2sf)  }
0x7f: {  	vm3 =	vmmov vm3;
	v3 =	vsel vm4, $0xFFFFFFFF, v3;
	vm4 =	vmmov vm6;
	s20 =	spop (v2sf)  }
0x80: {  	vm6 =	vgt.u32 v8, v2;
	v23, _, _ =	vpop (xrf0);
	vm2 =	vmand vm2, vm5;
	vm5 =	veq.s32 v22, v2;
	s21 =	spop (v2sf)  }
0x81: {  	v8 =	vld [tilespmem:s15+$0x60];
	(v2sf) =	vpush v23, $0xF;
	vm2 =	vmor vm6, vm2;
	v58 =	vsel vm5, $0x1, v0;
	s21 =	sadd.s32 $0x0, s21  }
0x82: {  	vm6 =	veq.s32 v6, v2;
	v25 =	vsel vm2, $0x3F800000, v1;
	s22 =	sadd.s32 s21, s28;
	v14 =	vadd.s32 s21, v14  }
0x83: {  	vm2 =	veq.s32 v5, v2;
	s16 =	sadd.s32 s22, s19;
	vm12 =	vle.s32 v14, v4;
	v14 =	vimm.s32 $0x0  }
0x84: {  	[tilespmem:$0x1FFB0] =	vst v3;
	v59 =	vsel vm6, $0x1, v0;
	v12 =	vadd.s32 s22, v12;
	v14 =	vsel vm2, $0xFFFFFFFF, v14;
	s17 =	sadd.s32 s16, s25  }
0x85: {  	s29 =	spop (v2sf);
	vm12 =	vmand vm1, vm12;
	vm1 =	vle.s32 v12, v4;
	[tilespmem:$0x1FFD0] =	vst v14;
	v14 =	vsel vm2, $0x1, v0;
	s18 =	sadd.s32 s17, s18  }
0x86: {  	(xrf0) =	vadd.scan.msk.s32 $0xffff, v58;
	vm2 =	veq.s32 v8, v2;
	vm1 =	vmand vm11, vm1;
	vm11 =	vgt.u32 v11, v2;
	s19 =	sadd.s32 s18, s29  }
0x87: {  	v3 =	vld [tilespmem:s15+$0x50];
	[tilespmem:s14+$0x1000] =	vst v25;
	v13 =	vadd.s32 s17, v13;
	v25 =	vsel vm2, $0xFFFFFFFF, v61;
	v11 =	vadd.s32 s18, v21;
	s30 =	sadd.s32 s19, s20  }
0x88: {  	(xrf0) =	vadd.scan.msk.s32 $0xffff, v26;
	vm1 =	vmor vm11, vm1;
	vm11 =	vle.s32 v11, v4;
	v11 =	vadd.s32 s30, v23  }
0x89: {  	(xrf0) =	vadd.scan.msk.s32 $0xffff, v59;
	v62 =	vsel vm2, $0x1, v0;
	vm4 =	vmand vm4, vm11;
	vm11 =	vle.s32 v11, v4  }
0x8a: {  	(xrf0) =	vadd.scan.msk.s32 $0xffff, v14;
	vm2 =	vgt.u32 v22, v2;
	vm3 =	vmand vm3, vm11;
	vm11 =	vgt.u32 v16, v2  }
0x8b: {  	(xrf0) =	vadd.scan.msk.s32 $0xffff, v60;
	vm3 =	vmor vm11, vm3;
	vm11 =	vle.s32 v13, v4;
	v13 =	vimm.s32 $0x0  }
0x8c: {  	v24 =	vimm.s32 $0x0;
	vm8 =	veq.s32 v3, v2;
	(xrf0) =	vadd.scan.msk.s32 $0xffff, v62;
	v13 =	vsel vm2, $0xFFFFFFFF, v13  }
0x8d: {  	vm13 =	vgt.u32 v18, v2;
	vm14 =	vgt.u32 v17, v2;
	v27 =	vsel vm8, $0x1, v0;
	v11, _, _ =	vpop (xrf0)  }
0x8e: {  	vm7 =	vmmov vm7;
	vm0 =	vmmov vm0;
	v24 =	vsel vm5, $0xFFFFFFFF, v24;
	v14 =	vld [tilespmem:s15+$0x70];
	(xrf0) =	vadd.scan.msk.s32 $0xffff, v27;
	v12, _, _ =	vpop (xrf0)  }
0x8f: {  	v18 =	vadd.s32 s16, v20;
	v15 =	vadd.s32 s19, v15;
	(v2sf) =	vpush v11, $0xF;
	[tilespmem:$0x1FFF0] =	vst v13;
	v13, _, _ =	vpop (xrf0)  }
0x90: {  	v22 =	vsel vm1, $0x3F800000, v1;
	vm1 =	vle.s32 v15, v4;
	(v2sf) =	vpush v13, $0xF;
	v16, _, _ =	vpop (xrf0)  }
0x91: {  	vm0 =	vmand vm0, vm11;
	vm11 =	vmmov vm10;
	v21, _, _ =	vpop (xrf0);
	(v2sf) =	vpush v16, $0xF  }
0x92: {  	[tilespmem:$0x1FFC0] =	vst v24;
	v23 =	vsel vm3, $0x3F800000, v1;
	vm3 =	vgt.u32 v10, v2;
	(v2sf) =	vpush v12, $0xF;
	v10, _, _ =	vpop (xrf0)  }
0x93: {  	[tilespmem:$0x1FFE0] =	vst v25;
	vm10 =	veq.s32 v14, v2;
	vm0 =	vmor vm3, vm0;
	(v2sf) =	vpush v10, $0xF  }
0x94: {  	s31 =	spop (v2sf);
	v63 =	vsel vm10, $0x1, v0;
	vm3 =	vmand vm11, vm1;
	[tilespmem:s14+$0x1070] =	vst v23;
	v15, _, _ =	vpop (xrf0);
	(v2sf) =	vpush v21, $0xF  }
0x95: {  	s16 =	simm.s32 $0x400;
	s17 =	sadd.s32 s30, s31;
	vm11 =	vgt.u32 v19, v2;
	vm1 =	vle.s32 v18, v4;
	(xrf0) =	vadd.scan.msk.s32 $0xffff, v63;
	(v2sf) =	vpush v15, $0xF  }
.LBB2_8:
0x96: {  	v17 =	vld [tilespmem:$0x1FFB0];
	_ =	sdelay $0x4  }
0x97: {  	vm2 =	vnez.u8 v17;
	v17 =	vld [tilespmem:$0x1FFC0];
	_ =	sdelay $0x4  }
0x98: {  	vm1 =	vmand vm2, vm1;
	vm2 =	vnez.u8 v17  }
0x99: {  	v17 =	vimm.s32 $0x0;
	vm5 =	vmmov vm2  }
0x9a: {  	v17 =	vsel vm5, $0xFFFFFFFF, v17  }
0x9b: {  	vm2 =	vmmov vm15;
	[tilespmem:$0x1FFB0] =	vst v17;
	v17 =	vimm.s32 $0x0  }
0x9c: {  	v17 =	vsel vm2, $0xFFFFFFFF, v17  }
0x9d: {  	vm2 =	vmmov vm8;
	[tilespmem:$0x1FF40] =	vst v17;
	v17 =	vimm.s32 $0x0  }
0x9e: {  	s19 =	sshra.s32 s16, $0x2;
	[tilespmem:s14+$0x1020] =	vst v22;
	v17 =	vsel vm2, $0xFFFFFFFF, v17  }
0x9f: {  	v18 =	vsel vm0, $0x3F800000, v1;
	v20 =	vld [tilespmem:s19+$0x20];
	[tilespmem:$0x1FF50] =	vst v17  }
0xa0: {  	vm1 =	vmor vm7, vm1;
	v17 =	vld [tilespmem:s19+$0x30];
	[tilespmem:s14+$0x1040] =	vst v18  }
0xa1: {  	v22 =	vsel vm1, $0x3F800000, v1;
	v23 =	vld [tilespmem:s19+$0x50]  }
0xa2: {  	[tilespmem:s14+$0x1030] =	vst v22;
	v22 =	vld [tilespmem:$0x1FFF0];
	_ =	sdelay $0x3  }
0xa3: {  	vm0 =	vmor vm13, vm12  }
0xa4: {  	v21 =	vadd.s32 s17, v21;
	v25 =	vsel vm0, $0x3F800000, v1;
	vm0 =	vnez.u8 v22  }
0xa5: {  	v22 =	vimm.s32 $0x0;
	vm1 =	vmmov vm0;
	vm0 =	vle.s32 v21, v4  }
0xa6: {  	v21 =	vimm.s32 $0x0;
	v22 =	vsel vm1, $0xFFFFFFFF, v22;
	vm1 =	vmmov vm6  }
0xa7: {  	v21 =	vsel vm1, $0xFFFFFFFF, v21;
	vm1 =	vgt.u32 v9, v2;
	v9 =	vld [tilespmem:$0x1FFD0];
	_ =	sdelay $0x2  }
0xa8: {  	vm4 =	vmor vm11, vm4;
	[tilespmem:$0x1FFA0] =	vst v22  }
0xa9: {  	vm3 =	vmor vm14, vm3;
	v19 =	vsel vm4, $0x3F800000, v1;
	v22 =	vld [tilespmem:s19+$0x40];
	[tilespmem:s14+$0x1010] =	vst v25  }
0xaa: {  	v18 =	vsel vm3, $0x3F800000, v1;
	vm0 =	vmand vm9, vm0;
	[tilespmem:$0x1FF70] =	vst v21;
	vm2 =	vnez.u8 v9  }
0xab: {  	v21 =	vld [tilespmem:s19+$0x10];
	[tilespmem:s14+$0x1060] =	vst v18;
	v18 =	vimm.s32 $0x0;
	vm12 =	vmmov vm2;
	vm2 =	vgt.u32 v17, v2  }
0xac: {  	vm0 =	vmor vm1, vm0;
	v9 =	vld [tilespmem:s19+$0x0];
	[tilespmem:s14+$0x1050] =	vst v19;
	s14 =	smov.u32 s15;
	s15 =	smov.u32 s19;
	v18 =	vsel vm2, $0xFFFFFFFF, v18  }
0xad: {  	v25 =	vld [tilespmem:s15+$0x60];
	[tilespmem:$0x1FFF0] =	vst v18;
	v18 =	vsel vm0, $0x3F800000, v1  }
0xae: {  	[tilespmem:s14+$0x1000] =	vst v18;
	v18 =	vld [tilespmem:$0x1FFE0]  }
0xaf: {  	vm2 =	veq.s32 v17, v2;
	v17 =	vimm.s32 $0x0  }
0xb0: {  	vm14 =	vgt.u32 v8, v2;
	v17 =	vsel vm2, $0xFFFFFFFF, v17  }
0xb1: {  	v8 =	vimm.s32 $0x0;
	vm15 =	veq.s32 v20, v2;
	[tilespmem:$0x1FFC0] =	vst v17;
	v17 =	vsel vm2, $0x1, v0  }
0xb2: {  	s18 =	spop (v2sf);
	v24, _, _ =	vpop (xrf0);
	v19 =	vsel vm15, $0x1, v0;
	vm3 =	veq.s32 v22, v2;
	(xrf0) =	vadd.scan.msk.s32 $0xffff, v17;
	v17 =	vimm.s32 $0x0  }
0xb3: {  	s28 =	spop (v2sf);
	vm9 =	veq.s32 v9, v2;
	(xrf0) =	vadd.scan.msk.s32 $0xffff, v19;
	v19 =	vimm.s32 $0x0;
	vm0 =	vnez.u8 v18  }
0xb4: {  	s20 =	spop (v2sf);
	v18 =	vimm.s32 $0x0;
	vm1 =	vmmov vm0;
	vm0 =	vmmov vm10  }
0xb5: {  	s21 =	spop (v2sf);
	v18 =	vsel vm1, $0xFFFFFFFF, v18;
	v17 =	vsel vm0, $0xFFFFFFFF, v17;
	vm0 =	veq.s32 v21, v2  }
0xb6: {  	s22 =	spop (v2sf);
	vm1 =	veq.s32 v25, v2;
	[tilespmem:$0x1FF60] =	vst v17;
	v17 =	vsel vm3, $0x1, v0;
	v19 =	vsel vm0, $0xFFFFFFFF, v19  }
0xb7: {  	s23 =	spop (v2sf);
	[tilespmem:$0x1FFD0] =	vst v19;
	v19 =	vsel vm0, $0x1, v0;
	(xrf0) =	vadd.scan.msk.s32 $0xffff, v17;
	v17 =	vsel vm9, $0x1, v0  }
0xb8: {  	s29 =	sadd.s32 s17, s23;
	v8 =	vsel vm1, $0xFFFFFFFF, v8;
	(xrf0) =	vadd.scan.msk.s32 $0xffff, v19  }
0xb9: {  	s17 =	sadd.s32 s29, s20;
	vm8 =	veq.s32 v23, v2;
	[tilespmem:$0x1FFE0] =	vst v8;
	v8 =	vsel vm1, $0x1, v0;
	(xrf0) =	vadd.scan.msk.s32 $0xffff, v17  }
0xba: {  	[tilespmem:$0x1FF90] =	vst v18;
	v18 =	vsel vm8, $0x1, v0;
	v17, _, _ =	vpop (xrf0);
	(xrf0) =	vadd.scan.msk.s32 $0xffff, v8;
	v8 =	vadd.s32 s17, v12;
	s17 =	sadd.s32 s17, s21  }
0xbb: {  	v12, _, _ =	vpop (xrf0);
	v11 =	vadd.s32 s17, v11;
	s17 =	sadd.s32 s17, s18;
	(xrf0) =	vadd.scan.msk.s32 $0xffff, v18;
	v18 =	vld [tilespmem:$0x1FF40]  }
0xbc: {  	vm13 =	vgt.u32 v5, v2;
	vm1 =	vle.s32 v11, v4;
	v11 =	vadd.s32 s17, v13  }
0xbd: {  	v27 =	vimm.s32 $0x0;
	vm0 =	vgt.u32 v6, v2;
	vm6 =	vle.s32 v11, v4;
	v11 =	vld [tilespmem:$0x1FF50]  }
0xbe: {  	v5 =	vmovc v21;
	v21 =	vsel vm0, $0xFFFFFFFF, v27;
	vm0 =	vgt.u32 v14, v2;
	v14 =	vadd.s32 s29, v16  }
0xbf: {  	vm2 =	vle.s32 v14, v4  }
0xc0: {  	vm12 =	vmand vm12, vm2;
	vm5 =	vle.s32 v8, v4;
	vm2 =	vnez.u8 v18  }
0xc1: {  	vm4 =	vgt.u32 v7, v2;
	vm2 =	vmand vm2, vm5  }
0xc2: {  	vm2 =	vmor vm4, vm2;
	vm4 =	vnez.u8 v11;
	v11 =	vld [tilespmem:$0x1FF60]  }
0xc3: {  	(v2sf) =	vpush v24, $0xF;
	s30 =	spop (v2sf);
	s17 =	sadd.s32 s17, s28  }
0xc4: {  	v15 =	vadd.s32 s17, v15;
	s17 =	sadd.s32 s17, s30  }
0xc5: {  	v18 =	vadd.s32 s17, v10;
	s17 =	sadd.s32 s17, s22  }
0xc6: {  	(v2sf) =	vpush v17, $0xF;
	vm5 =	vle.s32 v15, v4;
	v15 =	vadd.s32 s17, v24  }
0xc7: {  	[tilespmem:$0x1FF80] =	vst v21;
	vm7 =	vle.s32 v15, v4;
	vm4 =	vmand vm4, vm5;
	vm5 =	vnez.u8 v11;
	v11 =	vmovc v17;
	v17 =	vld [tilespmem:$0x1FF70]  }
0xc8: {  	vm5 =	vmand vm5, vm7;
	vm7 =	vle.s32 v18, v4;
	v18 =	vld [tilespmem:$0x1FF80];
	_ =	sdelay $0x3  }
0xc9: {  	vm0 =	vmor vm0, vm5  }
0xca: {  	vm5 =	vnez.u8 v17;
	v17 =	vsel vm0, $0x3F800000, v1;
	vm0 =	vnez.u8 v18;
	v18 =	vld [tilespmem:$0x1FF90];
	_ =	sdelay $0x1  }
0xcb: {  	v26 =	vld [tilespmem:s15+$0x70]  }
0xcc: {  	v13, _, _ =	vpop (xrf0)  }
0xcd: {  	v6 =	vmov v22;
	(v2sf) =	vpush v13, $0xF;
	v16, _, _ =	vpop (xrf0)  }
0xce: {  	p0 =	sne.s32 s16, $0x3E00;
	s31 =	spop (v2sf);
	v21, _, _ =	vpop (xrf0);
	(v2sf) =	vpush v16, $0xF;
	v22 =	vsel vm2, $0x3F800000, v1;
	vm2 =	vnez.u8 v18;
	v18 =	vld [tilespmem:$0x1FFA0]  }
.Ltmp3:
0xcf: {  	(v2sf) =	vpush v12, $0xF;
	v10, _, _ =	vpop (xrf0);
	(pc) =	sbr.rel @p0 .LBB2_8-.Ltmp3, $4  }
0xd0: {  	vm11 =	vgt.u32 v3, v2;
	vm10 =	veq.s32 v26, v2;
	(v2sf) =	vpush v10, $0xF  }
0xd1: {  	v7 =	vmov v20;
	v19 =	vsel vm10, $0x1, v0;
	(v2sf) =	vpush v21, $0xF;
	v15, _, _ =	vpop (xrf0)  }
0xd2: {  	v3 =	vmovc v23;
	(xrf0) =	vadd.scan.msk.s32 $0xffff, v19;
	(v2sf) =	vpush v15, $0xF;
	vm5 =	vmand vm5, vm6;
	vm6 =	vmmov vm3  }
0xd3: {  	s16 =	sadd.s32 $0x200, s16;
	v14 =	vmovc v26;
	v8 =	vmovc v25;
	s17 =	sadd.s32 s17, s31;
	[tilespmem:s14+$0x1070] =	vst v17;
	vm0 =	vmor vm0, vm5;
	vm3 =	vmand vm2, vm7;
	vm7 =	vnez.u8 v18  }
0xd4: {  	_ =	sdelay $0x6  }
0xd5: {  	s16 =	spop (v2sf);
	v17 =	vld [tilespmem:$0x1FFB0];
	vm11 =	vmor vm11, vm4;
	vm3 =	vmor vm14, vm3  }
0xd6: {  	v46 =	vsel vm0, $0x3F800000, v1;
	vm13 =	vmor vm13, vm12;
	v20 =	vadd.s32 s17, v21;
	s18 =	spop (v2sf)  }
0xd7: {  	vm15 =	vmmov vm15;
	vm4 =	vmmov vm6;
	v49 =	vld [tilespmem:$0x1FFD0];
	vm12 =	vmmov vm10;
	s19 =	spop (v2sf)  }
0xd8: {  	vm10 =	vgt.u32 v14, v2;
	v18 =	vsel vm11, $0x3F800000, v1;
	v47 =	vsel vm3, $0x3F800000, v1;
	s20 =	spop (v2sf)  }
0xd9: {  	v23 =	vsel vm13, $0x3F800000, v1;
	vm14 =	vle.s32 v20, v4;
	vm3 =	vmmov vm8;
	s21 =	spop (v2sf)  }
0xda: {  	vm0 =	vmand vm9, vm14;
	vm9 =	vgt.u32 v9, v2;
	vm2 =	vnez.u8 v17;
	s22 =	spop (v2sf)  }
0xdb: {  	vm13 =	vgt.u32 v7, v2;
	vm0 =	vmor vm9, vm0;
	vm1 =	vmand vm2, vm1;
	s28 =	sadd.s32 s17, s22  }
0xdc: {  	v54 =	vld [tilespmem:$0x1FFC0];
	v50 =	vsel vm0, $0x3F800000, v1;
	vm5 =	vnez.u8 v49;
	vm1 =	vmor vm7, vm1;
	s19 =	sadd.s32 s28, s19  }
0xdd: {  	v48, _, _ =	vpop (xrf0);
	vm5 =	vmmov vm5;
	v19 =	vsel vm1, $0x3F800000, v1;
	v16 =	vadd.s32 s28, v16;
	s20 =	sadd.s32 s19, s20  }
0xde: {  	v55 =	vld [tilespmem:$0x1FFE0];
	(v2sf) =	vpush v48, $0xF;
	vm11 =	vle.s32 v16, v4;
	v51 =	vadd.s32 s19, v12;
	s16 =	sadd.s32 s20, s16  }
0xdf: {  	s29 =	spop (v2sf);
	vm0 =	vmand vm5, vm11;
	vm14 =	vle.s32 v51, v4;
	v57 =	vadd.s32 s20, v11;
	s18 =	sadd.s32 s16, s18  }
0xe0: {  	v52 =	vadd.s32 s16, v13;
	vm1 =	vmand vm15, vm14;
	s17 =	sadd.s32 s18, s29;
	v53 =	vadd.s32 s18, v15  }
0xe1: {  	[tilespmem:s14+$0x1020] =	vst v22;
	vm14 =	vnez.u8 v54;
	vm5 =	vmor vm13, vm1;
	s30 =	sadd.s32 s17, s21;
	vm15 =	vle.s32 v53, v4  }
0xe2: {  	v60 =	vld [tilespmem:$0x1FFF0];
	[tilespmem:s14+$0x1040] =	vst v46;
	v58 =	vadd.s32 s17, v10;
	v59 =	vsel vm5, $0x3F800000, v1;
	v9 =	vadd.s32 s30, v48  }
0xe3: {  	[tilespmem:s14+$0x1010] =	vst v23;
	vm1 =	vmand vm3, vm15;
	vm15 =	vnez.u8 v55;
	vm9 =	vle.s32 v9, v4  }
0xe4: {  	[tilespmem:s14+$0x1060] =	vst v47;
	vm6 =	vmmov vm15;
	vm11 =	vmand vm12, vm9;
	vm12 =	vle.s32 v52, v4  }
0xe5: {  	[tilespmem:s14+$0x1050] =	vst v18;
	vm9 =	vgt.u32 v6, v2;
	vm2 =	vmor vm10, vm11;
	vm13 =	vmand vm4, vm12  }
0xe6: {  	[tilespmem:s14+$0x1030] =	vst v19;
	vm4 =	vmmov vm14;
	vm10 =	vle.s32 v57, v4;
	vm11 =	vle.s32 v58, v4  }
0xe7: {  	[tilespmem:s15+$0x1000] =	vst v50;
	vm12 =	vnez.u8 v60;
	vm14 =	vgt.u32 v8, v2;
	v56 =	vsel vm2, $0x3F800000, v1  }
0xe8: {  	[tilespmem:s15+$0x1020] =	vst v59;
	vm2 =	vmor vm9, vm13;
	vm4 =	vmand vm4, vm10;
	vm5 =	vmmov vm12  }
0xe9: {  	vm13 =	vgt.u32 v5, v2;
	[tilespmem:s15+$0x1070] =	vst v56;
	vm4 =	vmor vm5, vm4;
	v61 =	vsel vm2, $0x3F800000, v1  }
0xea: {  	vm3 =	vmand vm6, vm11;
	vm0 =	vmor vm13, vm0;
	v62 =	vsel vm4, $0x3F800000, v1;
	[tilespmem:s15+$0x1040] =	vst v61  }
0xeb: {  	vm15 =	vgt.u32 v3, v2;
	vm2 =	vmor vm14, vm3;
	v63 =	vsel vm0, $0x3F800000, v1;
	[tilespmem:s15+$0x1030] =	vst v62  }
0xec: {  	s13 =	sadd.s32 $0x1, s13;
	vm0 =	vmor vm15, vm1;
	v2 =	vsel vm2, $0x3F800000, v1;
	[tilespmem:s15+$0x1010] =	vst v63  }
0xed: {  	p0 =	sne.s32 s13, s6;
	v3 =	vsel vm0, $0x3F800000, v1;
	[tilespmem:s15+$0x1060] =	vst v2  }
.Ltmp4:
0xee: {  	s31 =	spop (v2sf);
	[tilespmem:s15+$0x1050] =	vst v3;
	(pc) =	sbr.rel @p0 .LBB2_1-.Ltmp4, $4  }
0xef: {  	[hbm4b:s5+s7] =	stream.strided.scatter [tilespmem:s12], [sflag:$0x1], $0x1000, s8, s7, $0x38;
	[tilespmem:$0x2080] =	vst v63  }
0xf0: {  	_ =	swait.ge [sflag:s9], $0x1000  }
0xf1: {  	[sflag:s9] =	ssyncset.done $0x0  }
0xf2: {  	[sflag:s9] =	ssyncadd.s32 $0xFFFFF000  }
0xf3: {  	_ =	sfence.sel $0x180000  }
0xf4: {  	[bflag:$0x0] =	sbarrier.arrive $0xFFFF  }
0xf5: {  	p0 =	sne.s32 s1, $0x0;
	_ =	strace $0x90000047  }
0xf6: {  	s0 =	sadd.s32 @!p0 $0x100000, s0;
	[bflag:$0x2] =	sbarrier.arrive $0xFFFF  }
0xf7: {  	[sflag:s0] =	ssyncadd.tile.s32 @!p0 $0x1;
	_ =	shalt  }
.Lfunc_end2:
_tile_overlayer_lowered:
.L_overlay_start_2:
0xf8: {  	(tag) =	ssettag $0x2  }
0xf9: {  	s0 =	rddreg [dreg:$0x0];
	s2 =	stileid.u32  }
0xfa: {  	s1 =	rddreg [dreg:$0x1];
	p0 =	sne.s32 s2, $0x0  }
0xfb: {  	s3 =	rddreg [dreg:$0x2];
	[bflag:$0x3] =	sbarrier.arrive $0xFFFF;
	s2 =	simm.s32 @!p0 $0x1C01  }
0xfc: {  	[timem:s3], [sflag:s2] =	dma.local @!p0 [hbm:s0], s1  }
0xfd: {  	s0 =	simm.s32 @!p0 $0x1  }
0xfe: {  	_ =	swait.ge @!p0 [sflag:s0], s1  }
0xff: {  	s1 =	ssub.s32 @!p0 $0x0, s1;
	[sflag:s0] =	ssyncset.done @!p0 $0x0  }
0x100: {  	[sflag:s0] =	ssyncadd.s32 @!p0 s1  }
0x101: {  	[bflag:$0x3] =	sbarrier.arrive $0xFFFF  }
0x102: {  	_ =	shalt  }

</sc_bundles>
